<compile_context>
chip_gen: v7x
topology: tpu7x:2x2x1
jax: 0.10.2.dev20260603
libtpu: 0.0.44.dev20260713+nightly
codegen_flags: <defaults>
</compile_context>

<pallas_src>
import functools

import jax
import jax.numpy as jnp
from jax import lax
from jax.experimental import pallas as pl
from jax.experimental.pallas import tpu as pltpu
from jax.experimental.pallas import tpu_sc as plsc

N_NODES = 10000
N_EDGES = 320000
HIDDEN = 128
NUM_RBF = 16
CUTOFF_UPPER = 5.0

NC = 2
NS = 16
L = 16
NW = NC * NS
EPW = N_EDGES // NW
CH = 80
NCHW = EPW // CH

EB = 2560
RB = 1000

_HI = jax.lax.Precision.DEFAULT


def _silu(v):
    return v * jax.nn.sigmoid(v)


def _proj_body(x_ref, w_ref, o_ref):
    o_ref[:] = jnp.dot(x_ref[:], w_ref[:], precision=_HI,
                       preferred_element_type=jnp.float32)


def _proj(x, lin1_w):
    return pl.pallas_call(
        _proj_body,
        grid=(N_NODES // RB,),
        in_specs=[pl.BlockSpec((RB, HIDDEN), lambda i: (i, 0)),
                  pl.BlockSpec((HIDDEN, HIDDEN), lambda i: (0, 0))],
        out_specs=pl.BlockSpec((RB, HIDDEN), lambda i: (i, 0)),
        out_shape=jax.ShapeDtypeStruct((N_NODES, HIDDEN), jnp.float32),
    )(x, lin1_w.T)


def _cutoff_body(ew_ref, o_ref):
    d = ew_ref[:]
    c = 0.5 * (jnp.cos(d * (jnp.pi / CUTOFF_UPPER)) + 1.0)
    o_ref[:] = c * (d < CUTOFF_UPPER).astype(jnp.float32)


def _cutoff(edge_weight):
    ew2 = edge_weight.reshape(N_EDGES // HIDDEN, HIDDEN)
    c2 = pl.pallas_call(
        _cutoff_body,
        out_shape=jax.ShapeDtypeStruct(ew2.shape, jnp.float32),
    )(ew2)
    return c2.reshape(N_EDGES, 1)


def _filter_body(attr_ref, c_ref, w1t_ref, b1_ref, w2t_ref, b2_ref, o_ref):
    h = jnp.dot(attr_ref[:], w1t_ref[:], precision=_HI,
                preferred_element_type=jnp.float32) + b1_ref[:]
    h = _silu(h)
    w = jnp.dot(h, w2t_ref[:], precision=_HI,
                preferred_element_type=jnp.float32) + b2_ref[:]
    o_ref[:] = w * c_ref[:]


def _filter(edge_attr, cutoff_col, mlp_w1, mlp_b1, mlp_w2, mlp_b2):
    return pl.pallas_call(
        _filter_body,
        grid=(N_EDGES // EB,),
        in_specs=[
            pl.BlockSpec((EB, NUM_RBF), lambda i: (i, 0)),
            pl.BlockSpec((EB, 1), lambda i: (i, 0)),
            pl.BlockSpec((NUM_RBF, HIDDEN), lambda i: (0, 0)),
            pl.BlockSpec((1, HIDDEN), lambda i: (0, 0)),
            pl.BlockSpec((HIDDEN, HIDDEN), lambda i: (0, 0)),
            pl.BlockSpec((1, HIDDEN), lambda i: (0, 0)),
        ],
        out_specs=pl.BlockSpec((EB, HIDDEN), lambda i: (i, 0)),
        out_shape=jax.ShapeDtypeStruct((N_EDGES, HIDDEN), jnp.float32),
    )(edge_attr, cutoff_col, mlp_w1.T,
      mlp_b1.reshape(1, HIDDEN), mlp_w2.T, mlp_b2.reshape(1, HIDDEN))


def _sc_body(xl_hbm, w_hbm, idx_hbm, zeros_hbm, out_hbm,
             idx0, idx1, xlg0, xlg1, wv, agg_sh,
             gsem0, gsem1, ssem0, ssem1):
    c = lax.axis_index("c")
    s = lax.axis_index("s")
    w_id = c * NS + s

    RBLK = 400
    NRB = N_NODES // RBLK

    @pl.loop(0, 2)
    def _(kk):
        b = s + kk * NS

        @pl.when(b < NRB)
        def _():
            pltpu.sync_copy(zeros_hbm.at[pl.ds(b * RBLK, RBLK)],
                            agg_sh.at[pl.ds(b * RBLK, RBLK)])

    plsc.subcore_barrier()

    def load_idx(j, idxb):
        pltpu.sync_copy(idx_hbm.at[w_id * NCHW + j], idxb)

    def start_gather(idxb, xlg, gsem):
        pltpu.async_copy(xl_hbm.at[idxb.at[0]], xlg, gsem)

    def wait_scatter(xlg, idxb, ssem):
        pltpu.make_async_copy(xlg, agg_sh.at[idxb.at[1]], ssem).wait()

    def process(j, xlg, idxb, gsem, ssem):
        pltpu.make_async_copy(xl_hbm.at[idxb.at[0]], xlg, gsem).wait()
        pltpu.sync_copy(w_hbm.at[pl.ds(w_id * EPW + j * CH, CH)], wv)

        @pl.loop(0, CH, step=4)
        def _(r0):
            for dr in range(4):
                r = r0 + dr
                for j2 in range(HIDDEN // L):
                    sl = pl.ds(j2 * L, L)
                    xlg[r, sl] = xlg[r, sl] * wv[r, sl]

        pltpu.async_copy(xlg, agg_sh.at[idxb.at[1]], ssem, add=True)

    load_idx(0, idx0)
    start_gather(idx0, xlg0, gsem0)

    @pl.loop(0, (NCHW + 1) // 2)
    def _(t):
        j = t * 2

        @pl.when(j + 1 < NCHW)
        def _():
            @pl.when(j - 1 >= 0)
            def _():
                wait_scatter(xlg1, idx1, ssem1)

            load_idx(j + 1, idx1)
            start_gather(idx1, xlg1, gsem1)

        process(j, xlg0, idx0, gsem0, ssem0)

        @pl.when(j + 2 < NCHW)
        def _():
            wait_scatter(xlg0, idx0, ssem0)
            load_idx(j + 2, idx0)
            start_gather(idx0, xlg0, gsem0)

        @pl.when(j + 1 < NCHW)
        def _():
            process(j + 1, xlg1, idx1, gsem1, ssem1)

    wait_scatter(xlg0, idx0, ssem0)
    wait_scatter(xlg1, idx1, ssem1)

    plsc.subcore_barrier()

    @pl.loop(0, 2)
    def _(kk):
        b = s + kk * NS

        @pl.when(b < NRB)
        def _():
            pltpu.sync_copy(agg_sh.at[pl.ds(b * RBLK, RBLK)],
                            out_hbm.at[pl.ds(c * N_NODES + b * RBLK, RBLK)])


def _sc_conv(xl, w_edges, src, dst, zeros):
    idx2 = jnp.stack([src.reshape(NW * NCHW, CH),
                      dst.reshape(NW * NCHW, CH)], axis=1)
    mesh = plsc.VectorSubcoreMesh(core_axis_name="c", subcore_axis_name="s")
    k = pl.kernel(
        _sc_body,
        out_type=jax.ShapeDtypeStruct((NC * N_NODES, HIDDEN), jnp.float32),
        mesh=mesh,
        scratch_types=[
            pltpu.VMEM((2, CH), jnp.int32),
            pltpu.VMEM((2, CH), jnp.int32),
            pltpu.VMEM((CH, HIDDEN), jnp.float32),
            pltpu.VMEM((CH, HIDDEN), jnp.float32),
            pltpu.VMEM((CH, HIDDEN), jnp.float32),
            pltpu.VMEM_SHARED((N_NODES, HIDDEN), jnp.float32),
            pltpu.SemaphoreType.DMA,
            pltpu.SemaphoreType.DMA,
            pltpu.SemaphoreType.DMA,
            pltpu.SemaphoreType.DMA,
        ],
    )
    return k(xl, w_edges, idx2, zeros)


def _tail_body(nat_ref, a0_ref, a1_ref, w2t_ref, b2_ref, wt_ref, b_ref, o_ref):
    agg = a0_ref[:] + a1_ref[:]
    i = pl.program_id(0)
    rows = i * RB + lax.broadcasted_iota(jnp.int32, (RB, 1), 0)
    agg = jnp.where(rows < nat_ref[0], agg, 0.0)
    o = jnp.dot(agg, w2t_ref[:], precision=_HI,
                preferred_element_type=jnp.float32) + b2_ref[:]
    o = _silu(o)
    o_ref[:] = jnp.dot(o, wt_ref[:], precision=_HI,
                       preferred_element_type=jnp.float32) + b_ref[:]


def _tail(aggp, n_atoms, lin2_w, lin2_b, lin_w, lin_b):
    nat = jnp.asarray(n_atoms, jnp.int32).reshape(1)
    return pl.pallas_call(
        _tail_body,
        grid=(N_NODES // RB,),
        in_specs=[
            pl.BlockSpec(memory_space=pltpu.SMEM),
            pl.BlockSpec((RB, HIDDEN), lambda i: (i, 0)),
            pl.BlockSpec((RB, HIDDEN), lambda i: (i + N_NODES // RB, 0)),
            pl.BlockSpec((HIDDEN, HIDDEN), lambda i: (0, 0)),
            pl.BlockSpec((1, HIDDEN), lambda i: (0, 0)),
            pl.BlockSpec((HIDDEN, HIDDEN), lambda i: (0, 0)),
            pl.BlockSpec((1, HIDDEN), lambda i: (0, 0)),
        ],
        out_specs=pl.BlockSpec((RB, HIDDEN), lambda i: (i, 0)),
        out_shape=jax.ShapeDtypeStruct((N_NODES, HIDDEN), jnp.float32),
    )(nat, aggp, aggp, lin2_w.T, lin2_b.reshape(1, HIDDEN), lin_w.T,
      lin_b.reshape(1, HIDDEN))


def kernel(x, edge_index, edge_weight, edge_attr, n_atoms,
           mlp_w1, mlp_b1, mlp_w2, mlp_b2,
           lin1_w, lin2_w, lin2_b, lin_w, lin_b):
    src = edge_index[1].astype(jnp.int32)
    dst = edge_index[0].astype(jnp.int32)
    xl = _proj(x, lin1_w)
    cutoff_col = _cutoff(edge_weight)
    w_edges = _filter(edge_attr, cutoff_col, mlp_w1, mlp_b1, mlp_w2, mlp_b2)
    zeros = jnp.zeros((N_NODES, HIDDEN), jnp.float32)
    aggp = _sc_conv(xl, w_edges, src, dst, zeros)
    return _tail(aggp, n_atoms, lin2_w, lin2_b, lin_w, lin_b)

# --- scband reference (transcript-rebuilt; emitter-appended) ---
"""Pipeline reference for scband-interaction-block-14688788152852 (READ-ONLY COPY).

The authoritative reference and input builder live on the scoring server;
editing this copy changes nothing except your own understanding.
"""

import jax, jax.numpy as jnp
import numpy as np

N_NODES = 10000
N_EDGES = 320000
HIDDEN = 128
NUM_RBF = 16
NUM_FILTERS = 128
CUTOFF_LOWER = 0.0
CUTOFF_UPPER = 5.0


def silu(x):
    return x * jax.nn.sigmoid(x)


def cosine_cutoff(d):
    # cutoff_lower == 0 branch of CosineCutoff
    c = 0.5 * (jnp.cos(d * jnp.pi / CUTOFF_UPPER) + 1.0)
    return c * (d < CUTOFF_UPPER).astype(d.dtype)


def setup_inputs(seed: int = 0) -> dict:
    key = jax.random.key(seed)
    ks = jax.random.split(key, 16)
    x = jax.random.normal(ks[0], (N_NODES, HIDDEN), dtype=jnp.float32)
    edge_index = jax.random.randint(ks[1], (2, N_EDGES), 0, N_NODES, dtype=jnp.int64)
    edge_weight = jax.random.uniform(ks[2], (N_EDGES,), dtype=jnp.float32)
    edge_attr = jax.random.normal(ks[3], (N_EDGES, NUM_RBF), dtype=jnp.float32)
    # learned parameters (xavier-ish scaling)
    mlp_w1 = jax.random.normal(ks[4], (NUM_FILTERS, NUM_RBF), dtype=jnp.float32) * (1.0 / np.sqrt(NUM_RBF))
    mlp_b1 = jnp.zeros((NUM_FILTERS,), dtype=jnp.float32)
    mlp_w2 = jax.random.normal(ks[5], (NUM_FILTERS, NUM_FILTERS), dtype=jnp.float32) * (1.0 / np.sqrt(NUM_FILTERS))
    mlp_b2 = jnp.zeros((NUM_FILTERS,), dtype=jnp.float32)
    lin1_w = jax.random.normal(ks[6], (NUM_FILTERS, HIDDEN), dtype=jnp.float32) * (1.0 / np.sqrt(HIDDEN))
    lin2_w = jax.random.normal(ks[7], (HIDDEN, NUM_FILTERS), dtype=jnp.float32) * (1.0 / np.sqrt(NUM_FILTERS))
    lin2_b = jnp.zeros((HIDDEN,), dtype=jnp.float32)
    lin_w = jax.random.normal(ks[8], (HIDDEN, HIDDEN), dtype=jnp.float32) * (1.0 / np.sqrt(HIDDEN))
    lin_b = jnp.zeros((HIDDEN,), dtype=jnp.float32)
    return {
        "x": x,
        "edge_index": edge_index,
        "edge_weight": edge_weight,
        "edge_attr": edge_attr,
        "n_atoms": N_NODES,
        "mlp_w1": mlp_w1,
        "mlp_b1": mlp_b1,
        "mlp_w2": mlp_w2,
        "mlp_b2": mlp_b2,
        "lin1_w": lin1_w,
        "lin2_w": lin2_w,
        "lin2_b": lin2_b,
        "lin_w": lin_w,
        "lin_b": lin_b,
    }


def reference(x, edge_index, edge_weight, edge_attr, n_atoms,
              mlp_w1, mlp_b1, mlp_w2, mlp_b2,
              lin1_w, lin2_w, lin2_b, lin_w, lin_b):
    # CFConv
    C = cosine_cutoff(edge_weight)
    h = silu(edge_attr @ mlp_w1.T + mlp_b1)
    W = (h @ mlp_w2.T + mlp_b2) * C[:, None]
    xl = x @ lin1_w.T
    msg = W * jnp.take(xl, edge_index[1], axis=0)
    n_static = x.shape[0]
    agg = jnp.zeros((n_static, W.shape[1]), dtype=msg.dtype).at[edge_index[0]].add(msg)
    valid = jnp.arange(n_static) < n_atoms
    agg = jnp.where(valid[:, None], agg, jnp.zeros((), dtype=agg.dtype))
    out = agg @ lin2_w.T + lin2_b
    # InteractionBlock tail
    out = silu(out)
    out = out @ lin_w.T + lin_b
    return out

if __name__ == "__main__":
    import jax
    _d = setup_inputs()
    print(jax.jit(kernel)(*tuple(_d.values())))

</pallas_src>

<mosaic_0001>
#map = affine_map<(d0, d1) -> (0, 0)>
#map1 = affine_map<(d0, d1) -> (0, 0, 0)>
module attributes {stable_mosaic.version = 14 : i64} {
  func.func @_sc_body(%arg0: i32, %arg1: i32, %arg2: memref<10000x128xf32, #tpu.memory_space<hbm>>, %arg3: memref<320000x128xf32, #tpu.memory_space<hbm>>, %arg4: memref<4000x2x80xi32, #tpu.memory_space<hbm>>, %arg5: memref<10000x128xf32, #tpu.memory_space<hbm>>, %arg6: memref<20000x128xf32, #tpu.memory_space<hbm>>, %arg7: memref<2x80xi32, #tpu.memory_space<vmem>>, %arg8: memref<2x80xi32, #tpu.memory_space<vmem>>, %arg9: memref<80x128xf32, #tpu.memory_space<vmem>>, %arg10: memref<80x128xf32, #tpu.memory_space<vmem>>, %arg11: memref<80x128xf32, #tpu.memory_space<vmem>>, %arg12: memref<10000x128xf32, #tpu.memory_space<vmem_shared>>, %arg13: memref<!tpu.dma_semaphore, #tpu.memory_space<semaphore_mem>>, %arg14: memref<!tpu.dma_semaphore, #tpu.memory_space<semaphore_mem>>, %arg15: memref<!tpu.dma_semaphore, #tpu.memory_space<semaphore_mem>>, %arg16: memref<!tpu.dma_semaphore, #tpu.memory_space<semaphore_mem>>) attributes {dimension_semantics = [#tpu.dimension_semantics<core_parallel>, #tpu.dimension_semantics<subcore_parallel>], iteration_bounds = array<i64: 2, 16>, scalar_prefetch = 0 : i64, scratch_operands = 10 : i64, tpu.core_type = #tpu.core_type<sc_vector_subcore>, window_params = [{transform_indices = #map}, {transform_indices = #map}, {transform_indices = #map1}, {transform_indices = #map}, {transform_indices = #map}]} {
    %mul3A = arith.constant 16 : i32
    %mul3A_0 = arith.muli %arg0, %mul3A : i32
    %add3A = arith.addi %mul3A_0, %arg1 : i32
    %scan3A = arith.constant 0 : i32
    %scan3A_1 = arith.constant 2 : i32
    %scan3A_2 = arith.addi %scan3A, %scan3A_1 : i32
    %scan3A_3 = arith.constant 1 : i32
    scf.for %scan3A_39 = %scan3A to %scan3A_2 step %scan3A_3  : i32 {
      %mul3A_40 = arith.constant 1 : i32
      %mul3A_41 = arith.muli %scan3A_39, %mul3A_40 : i32
      %add3A_42 = arith.constant 0 : i32
      %add3A_43 = arith.addi %add3A_42, %mul3A_41 : i32
      %mul3A_44 = arith.constant 16 : i32
      %mul3A_45 = arith.muli %add3A_43, %mul3A_44 : i32
      %add3A_46 = arith.addi %arg1, %mul3A_45 : i32
      %lt3A = arith.constant 25 : i32
      %lt3A_47 = arith.cmpi slt, %add3A_46, %lt3A : i32
      %convert_element_type3A = arith.extui %lt3A_47 : i1 to i32
      %cond3A = arith.constant 0 : i32
      %cond3A_48 = arith.cmpi ne, %convert_element_type3A, %cond3A : i32
      scf.if %cond3A_48 {
        %mul3A_49 = arith.constant 400 : i32
        %mul3A_50 = arith.muli %add3A_46, %mul3A_49 : i32
        %mul3A_51 = arith.constant 400 : i32
        %mul3A_52 = arith.muli %add3A_46, %mul3A_51 : i32
        "tpu.region"() ({
          %run_scoped3A = tpu.sem_alloc : memref<!tpu.dma_semaphore, #tpu.memory_space<semaphore_mem>>
          %dma_start3A_53 = arith.constant 0 : i32
          %dma_start3A_54 = tpu.memref_slice %arg12[%mul3A_52, %dma_start3A_53] : memref<10000x128xf32, #tpu.memory_space<vmem_shared>> -> memref<400x128xf32, #tpu.memory_space<vmem_shared>>
          %dma_start3A_55 = arith.constant 0 : i32
          %dma_start3A_56 = tpu.memref_slice %arg5[%mul3A_50, %dma_start3A_55] : memref<10000x128xf32, #tpu.memory_space<hbm>> -> memref<400x128xf32, #tpu.memory_space<hbm>>
          tpu.enqueue_dma source(%dma_start3A_56 : memref<400x128xf32, #tpu.memory_space<hbm>>) target(%dma_start3A_54 : memref<400x128xf32, #tpu.memory_space<vmem_shared>>) target_semaphore(%run_scoped3A : memref<!tpu.dma_semaphore, #tpu.memory_space<semaphore_mem>>)
          %dma_wait3A_57 = arith.constant 0 : i32
          %dma_wait3A_58 = tpu.memref_slice %arg12[%mul3A_52, %dma_wait3A_57] : memref<10000x128xf32, #tpu.memory_space<vmem_shared>> -> memref<400x128xf32, #tpu.memory_space<vmem_shared>>
          %dma_wait3A_59 = arith.constant 0 : i32
          %dma_wait3A_60 = tpu.memref_slice %arg5[%mul3A_50, %dma_wait3A_59] : memref<10000x128xf32, #tpu.memory_space<hbm>> -> memref<400x128xf32, #tpu.memory_space<hbm>>
          tpu.wait_dma2 semaphore(%run_scoped3A : memref<!tpu.dma_semaphore, #tpu.memory_space<semaphore_mem>>) src(%dma_wait3A_60 : memref<400x128xf32, #tpu.memory_space<hbm>>) dst(%dma_wait3A_58 : memref<400x128xf32, #tpu.memory_space<vmem_shared>>)
          tpu.yield
        }) : () -> ()
      } else {
      }
    }
    %scan3A_4 = arith.constant 2 : i32
    %barrier3A = arith.constant 0 : index
    tpu.barrier barrier_id(%barrier3A)
    %mul3A_5 = arith.constant 125 : i32
    %mul3A_6 = arith.muli %add3A, %mul3A_5 : i32
    %add3A_7 = arith.constant 0 : i32
    %add3A_8 = arith.addi %mul3A_6, %add3A_7 : i32
    "tpu.region"() ({
      %run_scoped3A = tpu.sem_alloc : memref<!tpu.dma_semaphore, #tpu.memory_space<semaphore_mem>>
      %dma_start3A_39 = arith.constant 0 : i32
      %dma_start3A_40 = arith.constant 0 : i32
      %dma_start3A_41 = tpu.memref_slice %arg4[%add3A_8, %dma_start3A_39, %dma_start3A_40] : memref<4000x2x80xi32, #tpu.memory_space<hbm>> -> memref<1x2x80xi32, #tpu.memory_space<hbm>>
      %dma_start3A_42 = tpu.memref_squeeze %dma_start3A_41 : memref<1x2x80xi32, #tpu.memory_space<hbm>> -> memref<2x80xi32, #tpu.memory_space<hbm>>
      %dma_start3A_43 = arith.constant 0 : i32
      %dma_start3A_44 = arith.constant 0 : i32
      %dma_start3A_45 = tpu.memref_slice %arg4[%add3A_8, %dma_start3A_43, %dma_start3A_44] : memref<4000x2x80xi32, #tpu.memory_space<hbm>> -> memref<1x2x80xi32, #tpu.memory_space<hbm>>
      %dma_start3A_46 = tpu.memref_squeeze %dma_start3A_45 : memref<1x2x80xi32, #tpu.memory_space<hbm>> -> memref<2x80xi32, #tpu.memory_space<hbm>>
      tpu.enqueue_dma source(%dma_start3A_46 : memref<2x80xi32, #tpu.memory_space<hbm>>) target(%arg7 : memref<2x80xi32, #tpu.memory_space<vmem>>) target_semaphore(%run_scoped3A : memref<!tpu.dma_semaphore, #tpu.memory_space<semaphore_mem>>)
      %dma_wait3A_47 = arith.constant 0 : i32
      %dma_wait3A_48 = arith.constant 0 : i32
      %dma_wait3A_49 = tpu.memref_slice %arg4[%add3A_8, %dma_wait3A_47, %dma_wait3A_48] : memref<4000x2x80xi32, #tpu.memory_space<hbm>> -> memref<1x2x80xi32, #tpu.memory_space<hbm>>
      %dma_wait3A_50 = tpu.memref_squeeze %dma_wait3A_49 : memref<1x2x80xi32, #tpu.memory_space<hbm>> -> memref<2x80xi32, #tpu.memory_space<hbm>>
      %dma_wait3A_51 = arith.constant 0 : i32
      %dma_wait3A_52 = arith.constant 0 : i32
      %dma_wait3A_53 = tpu.memref_slice %arg4[%add3A_8, %dma_wait3A_51, %dma_wait3A_52] : memref<4000x2x80xi32, #tpu.memory_space<hbm>> -> memref<1x2x80xi32, #tpu.memory_space<hbm>>
      %dma_wait3A_54 = tpu.memref_squeeze %dma_wait3A_53 : memref<1x2x80xi32, #tpu.memory_space<hbm>> -> memref<2x80xi32, #tpu.memory_space<hbm>>
      tpu.wait_dma2 semaphore(%run_scoped3A : memref<!tpu.dma_semaphore, #tpu.memory_space<semaphore_mem>>) src(%dma_wait3A_54 : memref<2x80xi32, #tpu.memory_space<hbm>>) dst(%arg7 : memref<2x80xi32, #tpu.memory_space<vmem>>)
      tpu.yield
    }) : () -> ()
    %dma_start3A = arith.constant 0 : i32
    %dma_start3A_9 = arith.constant 0 : i32
    %dma_start3A_10 = tpu.memref_slice %arg7[%dma_start3A, %dma_start3A_9] : memref<2x80xi32, #tpu.memory_space<vmem>> -> memref<1x80xi32, #tpu.memory_space<vmem>>
    %dma_start3A_11 = tpu.memref_squeeze %dma_start3A_10 : memref<1x80xi32, #tpu.memory_space<vmem>> -> memref<80xi32, #tpu.memory_space<vmem>>
    %dma_start3A_12 = arith.constant 0 : i32
    %dma_start3A_13 = arith.constant 0 : i32
    %dma_start3A_14 = tpu.memref_slice %arg2[%dma_start3A_12, %dma_start3A_13] : memref<10000x128xf32, #tpu.memory_space<hbm>> -> memref<10000x128xf32, #tpu.memory_space<hbm>>
    tpu.enqueue_indirect_dma source(%dma_start3A_14 : memref<10000x128xf32, #tpu.memory_space<hbm>>) target(%arg9 : memref<80x128xf32, #tpu.memory_space<vmem>>) offsets(%dma_start3A_11 : memref<80xi32, #tpu.memory_space<vmem>>) semaphore(%arg13 : memref<!tpu.dma_semaphore, #tpu.memory_space<semaphore_mem>>)
    %scan3A_15 = arith.constant 0 : i32
    %scan3A_16 = arith.constant 63 : i32
    %scan3A_17 = arith.addi %scan3A_15, %scan3A_16 : i32
    %scan3A_18 = arith.constant 1 : i32
    scf.for %scan3A_39 = %scan3A_15 to %scan3A_17 step %scan3A_18  : i32 {
      %mul3A_40 = arith.constant 1 : i32
      %mul3A_41 = arith.muli %scan3A_39, %mul3A_40 : i32
      %add3A_42 = arith.constant 0 : i32
      %add3A_43 = arith.addi %add3A_42, %mul3A_41 : i32
      %mul3A_44 = arith.constant 2 : i32
      %mul3A_45 = arith.muli %add3A_43, %mul3A_44 : i32
      %add3A_46 = arith.constant 1 : i32
      %add3A_47 = arith.addi %mul3A_45, %add3A_46 : i32
      %lt3A = arith.constant 125 : i32
      %lt3A_48 = arith.cmpi slt, %add3A_47, %lt3A : i32
      %convert_element_type3A = arith.extui %lt3A_48 : i1 to i32
      %cond3A = arith.constant 0 : i32
      %cond3A_49 = arith.cmpi ne, %convert_element_type3A, %cond3A : i32
      scf.if %cond3A_49 {
        %sub3A = arith.constant 1 : i32
        %sub3A_88 = arith.subi %mul3A_45, %sub3A : i32
        %ge3A = arith.constant 0 : i32
        %ge3A_89 = arith.cmpi sge, %sub3A_88, %ge3A : i32
        %convert_element_type3A_90 = arith.extui %ge3A_89 : i1 to i32
        %cond3A_91 = arith.constant 0 : i32
        %cond3A_92 = arith.cmpi ne, %convert_element_type3A_90, %cond3A_91 : i32
        scf.if %cond3A_92 {
          %dma_wait3A_105 = arith.constant 1 : i32
          %dma_wait3A_106 = arith.constant 0 : i32
          %dma_wait3A_107 = tpu.memref_slice %arg8[%dma_wait3A_105, %dma_wait3A_106] : memref<2x80xi32, #tpu.memory_space<vmem>> -> memref<1x80xi32, #tpu.memory_space<vmem>>
          %dma_wait3A_108 = tpu.memref_squeeze %dma_wait3A_107 : memref<1x80xi32, #tpu.memory_space<vmem>> -> memref<80xi32, #tpu.memory_space<vmem>>
          %dma_wait3A_109 = arith.constant 0 : i32
          %dma_wait3A_110 = arith.constant 0 : i32
          %dma_wait3A_111 = tpu.memref_slice %arg12[%dma_wait3A_109, %dma_wait3A_110] : memref<10000x128xf32, #tpu.memory_space<vmem_shared>> -> memref<10000x128xf32, #tpu.memory_space<vmem_shared>>
          tpu.wait_indirect_dma semaphore(%arg16 : memref<!tpu.dma_semaphore, #tpu.memory_space<semaphore_mem>>) src(%arg10 : memref<80x128xf32, #tpu.memory_space<vmem>>) dst(%dma_wait3A_111 : memref<10000x128xf32, #tpu.memory_space<vmem_shared>>)
        } else {
        }
        %add3A_93 = arith.constant 1 : i32
        %add3A_94 = arith.addi %mul3A_45, %add3A_93 : i32
        %mul3A_95 = arith.constant 125 : i32
        %mul3A_96 = arith.muli %add3A, %mul3A_95 : i32
        %add3A_97 = arith.addi %mul3A_96, %add3A_94 : i32
        "tpu.region"() ({
          %run_scoped3A = tpu.sem_alloc : memref<!tpu.dma_semaphore, #tpu.memory_space<semaphore_mem>>
          %dma_start3A_105 = arith.constant 0 : i32
          %dma_start3A_106 = arith.constant 0 : i32
          %dma_start3A_107 = tpu.memref_slice %arg4[%add3A_97, %dma_start3A_105, %dma_start3A_106] : memref<4000x2x80xi32, #tpu.memory_space<hbm>> -> memref<1x2x80xi32, #tpu.memory_space<hbm>>
          %dma_start3A_108 = tpu.memref_squeeze %dma_start3A_107 : memref<1x2x80xi32, #tpu.memory_space<hbm>> -> memref<2x80xi32, #tpu.memory_space<hbm>>
          %dma_start3A_109 = arith.constant 0 : i32
          %dma_start3A_110 = arith.constant 0 : i32
          %dma_start3A_111 = tpu.memref_slice %arg4[%add3A_97, %dma_start3A_109, %dma_start3A_110] : memref<4000x2x80xi32, #tpu.memory_space<hbm>> -> memref<1x2x80xi32, #tpu.memory_space<hbm>>
          %dma_start3A_112 = tpu.memref_squeeze %dma_start3A_111 : memref<1x2x80xi32, #tpu.memory_space<hbm>> -> memref<2x80xi32, #tpu.memory_space<hbm>>
          tpu.enqueue_dma source(%dma_start3A_112 : memref<2x80xi32, #tpu.memory_space<hbm>>) target(%arg8 : memref<2x80xi32, #tpu.memory_space<vmem>>) target_semaphore(%run_scoped3A : memref<!tpu.dma_semaphore, #tpu.memory_space<semaphore_mem>>)
          %dma_wait3A_113 = arith.constant 0 : i32
          %dma_wait3A_114 = arith.constant 0 : i32
          %dma_wait3A_115 = tpu.memref_slice %arg4[%add3A_97, %dma_wait3A_113, %dma_wait3A_114] : memref<4000x2x80xi32, #tpu.memory_space<hbm>> -> memref<1x2x80xi32, #tpu.memory_space<hbm>>
          %dma_wait3A_116 = tpu.memref_squeeze %dma_wait3A_115 : memref<1x2x80xi32, #tpu.memory_space<hbm>> -> memref<2x80xi32, #tpu.memory_space<hbm>>
          %dma_wait3A_117 = arith.constant 0 : i32
          %dma_wait3A_118 = arith.constant 0 : i32
          %dma_wait3A_119 = tpu.memref_slice %arg4[%add3A_97, %dma_wait3A_117, %dma_wait3A_118] : memref<4000x2x80xi32, #tpu.memory_space<hbm>> -> memref<1x2x80xi32, #tpu.memory_space<hbm>>
          %dma_wait3A_120 = tpu.memref_squeeze %dma_wait3A_119 : memref<1x2x80xi32, #tpu.memory_space<hbm>> -> memref<2x80xi32, #tpu.memory_space<hbm>>
          tpu.wait_dma2 semaphore(%run_scoped3A : memref<!tpu.dma_semaphore, #tpu.memory_space<semaphore_mem>>) src(%dma_wait3A_120 : memref<2x80xi32, #tpu.memory_space<hbm>>) dst(%arg8 : memref<2x80xi32, #tpu.memory_space<vmem>>)
          tpu.yield
        }) : () -> ()
        %dma_start3A_98 = arith.constant 0 : i32
        %dma_start3A_99 = arith.constant 0 : i32
        %dma_start3A_100 = tpu.memref_slice %arg8[%dma_start3A_98, %dma_start3A_99] : memref<2x80xi32, #tpu.memory_space<vmem>> -> memref<1x80xi32, #tpu.memory_space<vmem>>
        %dma_start3A_101 = tpu.memref_squeeze %dma_start3A_100 : memref<1x80xi32, #tpu.memory_space<vmem>> -> memref<80xi32, #tpu.memory_space<vmem>>
        %dma_start3A_102 = arith.constant 0 : i32
        %dma_start3A_103 = arith.constant 0 : i32
        %dma_start3A_104 = tpu.memref_slice %arg2[%dma_start3A_102, %dma_start3A_103] : memref<10000x128xf32, #tpu.memory_space<hbm>> -> memref<10000x128xf32, #tpu.memory_space<hbm>>
        tpu.enqueue_indirect_dma source(%dma_start3A_104 : memref<10000x128xf32, #tpu.memory_space<hbm>>) target(%arg10 : memref<80x128xf32, #tpu.memory_space<vmem>>) offsets(%dma_start3A_101 : memref<80xi32, #tpu.memory_space<vmem>>) semaphore(%arg14 : memref<!tpu.dma_semaphore, #tpu.memory_space<semaphore_mem>>)
      } else {
      }
      %dma_wait3A_50 = arith.constant 0 : i32
      %dma_wait3A_51 = arith.constant 0 : i32
      %dma_wait3A_52 = tpu.memref_slice %arg7[%dma_wait3A_50, %dma_wait3A_51] : memref<2x80xi32, #tpu.memory_space<vmem>> -> memref<1x80xi32, #tpu.memory_space<vmem>>
      %dma_wait3A_53 = tpu.memref_squeeze %dma_wait3A_52 : memref<1x80xi32, #tpu.memory_space<vmem>> -> memref<80xi32, #tpu.memory_space<vmem>>
      %dma_wait3A_54 = arith.constant 0 : i32
      %dma_wait3A_55 = arith.constant 0 : i32
      %dma_wait3A_56 = tpu.memref_slice %arg2[%dma_wait3A_54, %dma_wait3A_55] : memref<10000x128xf32, #tpu.memory_space<hbm>> -> memref<10000x128xf32, #tpu.memory_space<hbm>>
      tpu.wait_indirect_dma semaphore(%arg13 : memref<!tpu.dma_semaphore, #tpu.memory_space<semaphore_mem>>) src(%dma_wait3A_56 : memref<10000x128xf32, #tpu.memory_space<hbm>>) dst(%arg9 : memref<80x128xf32, #tpu.memory_space<vmem>>)
      %mul3A_57 = arith.constant 10000 : i32
      %mul3A_58 = arith.muli %add3A, %mul3A_57 : i32
      %mul3A_59 = arith.constant 80 : i32
      %mul3A_60 = arith.muli %mul3A_45, %mul3A_59 : i32
      %add3A_61 = arith.addi %mul3A_58, %mul3A_60 : i32
      "tpu.region"() ({
        %run_scoped3A = tpu.sem_alloc : memref<!tpu.dma_semaphore, #tpu.memory_space<semaphore_mem>>
        %dma_start3A_88 = arith.constant 0 : i32
        %dma_start3A_89 = tpu.memref_slice %arg3[%add3A_61, %dma_start3A_88] : memref<320000x128xf32, #tpu.memory_space<hbm>> -> memref<80x128xf32, #tpu.memory_space<hbm>>
        %dma_start3A_90 = arith.constant 0 : i32
        %dma_start3A_91 = tpu.memref_slice %arg3[%add3A_61, %dma_start3A_90] : memref<320000x128xf32, #tpu.memory_space<hbm>> -> memref<80x128xf32, #tpu.memory_space<hbm>>
        tpu.enqueue_dma source(%dma_start3A_91 : memref<80x128xf32, #tpu.memory_space<hbm>>) target(%arg11 : memref<80x128xf32, #tpu.memory_space<vmem>>) target_semaphore(%run_scoped3A : memref<!tpu.dma_semaphore, #tpu.memory_space<semaphore_mem>>)
        %dma_wait3A_92 = arith.constant 0 : i32
        %dma_wait3A_93 = tpu.memref_slice %arg3[%add3A_61, %dma_wait3A_92] : memref<320000x128xf32, #tpu.memory_space<hbm>> -> memref<80x128xf32, #tpu.memory_space<hbm>>
        %dma_wait3A_94 = arith.constant 0 : i32
        %dma_wait3A_95 = tpu.memref_slice %arg3[%add3A_61, %dma_wait3A_94] : memref<320000x128xf32, #tpu.memory_space<hbm>> -> memref<80x128xf32, #tpu.memory_space<hbm>>
        tpu.wait_dma2 semaphore(%run_scoped3A : memref<!tpu.dma_semaphore, #tpu.memory_space<semaphore_mem>>) src(%dma_wait3A_95 : memref<80x128xf32, #tpu.memory_space<hbm>>) dst(%arg11 : memref<80x128xf32, #tpu.memory_space<vmem>>)
        tpu.yield
      }) : () -> ()
      %scan3A_62 = arith.constant 0 : i32
      %scan3A_63 = arith.constant 20 : i32
      %scan3A_64 = arith.addi %scan3A_62, %scan3A_63 : i32
      %scan3A_65 = arith.constant 1 : i32
      scf.for %scan3A_88 = %scan3A_62 to %scan3A_64 step %scan3A_65  : i32 {
        %mul3A_89 = arith.constant 4 : i32
        %mul3A_90 = arith.muli %scan3A_88, %mul3A_89 : i32
        %add3A_91 = arith.constant 0 : i32
        %add3A_92 = arith.addi %add3A_91, %mul3A_90 : i32
        %add3A_93 = arith.constant 0 : i32
        %add3A_94 = arith.addi %add3A_92, %add3A_93 : i32
        %get3A = arith.index_cast %add3A_94 : i32 to index
        %get3A_95 = arith.constant 0 : index
        %get3A_96 = tpu.vector_load %arg9[%get3A, %get3A_95] {strides = array<i32>} : memref<80x128xf32, #tpu.memory_space<vmem>>, vector<1x16xf32>,
        %get3A_97 = vector.shape_cast %get3A_96 : vector<1x16xf32> to vector<16xf32>
        %get3A_98 = arith.index_cast %add3A_94 : i32 to index
        %get3A_99 = arith.constant 0 : index
        %get3A_100 = tpu.vector_load %arg11[%get3A_98, %get3A_99] {strides = array<i32>} : memref<80x128xf32, #tpu.memory_space<vmem>>, vector<1x16xf32>,
        %get3A_101 = vector.shape_cast %get3A_100 : vector<1x16xf32> to vector<16xf32>
        %mul3A_102 = arith.mulf %get3A_97, %get3A_101 : vector<16xf32>
        %swap3A = arith.index_cast %add3A_94 : i32 to index
        %swap3A_103 = arith.constant 0 : index
        %swap3A_104 = tpu.vector_load %arg9[%swap3A, %swap3A_103] {strides = array<i32>} : memref<80x128xf32, #tpu.memory_space<vmem>>, vector<1x16xf32>,
        %swap3A_105 = vector.shape_cast %swap3A_104 : vector<1x16xf32> to vector<16xf32>
        %swap3A_106 = vector.shape_cast %mul3A_102 : vector<16xf32> to vector<1x16xf32>
        tpu.vector_store %arg9[%swap3A, %swap3A_103], %swap3A_106 {strides = array<i32>} : memref<80x128xf32, #tpu.memory_space<vmem>>, vector<1x16xf32>,
        %get3A_107 = arith.index_cast %add3A_94 : i32 to index
        %get3A_108 = arith.constant 16 : index
        %get3A_109 = tpu.vector_load %arg9[%get3A_107, %get3A_108] {strides = array<i32>} : memref<80x128xf32, #tpu.memory_space<vmem>>, vector<1x16xf32>,
        %get3A_110 = vector.shape_cast %get3A_109 : vector<1x16xf32> to vector<16xf32>
        %get3A_111 = arith.index_cast %add3A_94 : i32 to index
        %get3A_112 = arith.constant 16 : index
        %get3A_113 = tpu.vector_load %arg11[%get3A_111, %get3A_112] {strides = array<i32>} : memref<80x128xf32, #tpu.memory_space<vmem>>, vector<1x16xf32>,
        %get3A_114 = vector.shape_cast %get3A_113 : vector<1x16xf32> to vector<16xf32>
        %mul3A_115 = arith.mulf %get3A_110, %get3A_114 : vector<16xf32>
        %swap3A_116 = arith.index_cast %add3A_94 : i32 to index
        %swap3A_117 = arith.constant 16 : index
        %swap3A_118 = tpu.vector_load %arg9[%swap3A_116, %swap3A_117] {strides = array<i32>} : memref<80x128xf32, #tpu.memory_space<vmem>>, vector<1x16xf32>,
        %swap3A_119 = vector.shape_cast %swap3A_118 : vector<1x16xf32> to vector<16xf32>
        %swap3A_120 = vector.shape_cast %mul3A_115 : vector<16xf32> to vector<1x16xf32>
        tpu.vector_store %arg9[%swap3A_116, %swap3A_117], %swap3A_120 {strides = array<i32>} : memref<80x128xf32, #tpu.memory_space<vmem>>, vector<1x16xf32>,
        %get3A_121 = arith.index_cast %add3A_94 : i32 to index
        %get3A_122 = arith.constant 32 : index
        %get3A_123 = tpu.vector_load %arg9[%get3A_121, %get3A_122] {strides = array<i32>} : memref<80x128xf32, #tpu.memory_space<vmem>>, vector<1x16xf32>,
        %get3A_124 = vector.shape_cast %get3A_123 : vector<1x16xf32> to vector<16xf32>
        %get3A_125 = arith.index_cast %add3A_94 : i32 to index
        %get3A_126 = arith.constant 32 : index
        %get3A_127 = tpu.vector_load %arg11[%get3A_125, %get3A_126] {strides = array<i32>} : memref<80x128xf32, #tpu.memory_space<vmem>>, vector<1x16xf32>,
        %get3A_128 = vector.shape_cast %get3A_127 : vector<1x16xf32> to vector<16xf32>
        %mul3A_129 = arith.mulf %get3A_124, %get3A_128 : vector<16xf32>
        %swap3A_130 = arith.index_cast %add3A_94 : i32 to index
        %swap3A_131 = arith.constant 32 : index
        %swap3A_132 = tpu.vector_load %arg9[%swap3A_130, %swap3A_131] {strides = array<i32>} : memref<80x128xf32, #tpu.memory_space<vmem>>, vector<1x16xf32>,
        %swap3A_133 = vector.shape_cast %swap3A_132 : vector<1x16xf32> to vector<16xf32>
        %swap3A_134 = vector.shape_cast %mul3A_129 : vector<16xf32> to vector<1x16xf32>
        tpu.vector_store %arg9[%swap3A_130, %swap3A_131], %swap3A_134 {strides = array<i32>} : memref<80x128xf32, #tpu.memory_space<vmem>>, vector<1x16xf32>,
        %get3A_135 = arith.index_cast %add3A_94 : i32 to index
        %get3A_136 = arith.constant 48 : index
        %get3A_137 = tpu.vector_load %arg9[%get3A_135, %get3A_136] {strides = array<i32>} : memref<80x128xf32, #tpu.memory_space<vmem>>, vector<1x16xf32>,
        %get3A_138 = vector.shape_cast %get3A_137 : vector<1x16xf32> to vector<16xf32>
        %get3A_139 = arith.index_cast %add3A_94 : i32 to index
        %get3A_140 = arith.constant 48 : index
        %get3A_141 = tpu.vector_load %arg11[%get3A_139, %get3A_140] {strides = array<i32>} : memref<80x128xf32, #tpu.memory_space<vmem>>, vector<1x16xf32>,
        %get3A_142 = vector.shape_cast %get3A_141 : vector<1x16xf32> to vector<16xf32>
        %mul3A_143 = arith.mulf %get3A_138, %get3A_142 : vector<16xf32>
        %swap3A_144 = arith.index_cast %add3A_94 : i32 to index
        %swap3A_145 = arith.constant 48 : index
        %swap3A_146 = tpu.vector_load %arg9[%swap3A_144, %swap3A_145] {strides = array<i32>} : memref<80x128xf32, #tpu.memory_space<vmem>>, vector<1x16xf32>,
        %swap3A_147 = vector.shape_cast %swap3A_146 : vector<1x16xf32> to vector<16xf32>
        %swap3A_148 = vector.shape_cast %mul3A_143 : vector<16xf32> to vector<1x16xf32>
        tpu.vector_store %arg9[%swap3A_144, %swap3A_145], %swap3A_148 {strides = array<i32>} : memref<80x128xf32, #tpu.memory_space<vmem>>, vector<1x16xf32>,
        %get3A_149 = arith.index_cast %add3A_94 : i32 to index
        %get3A_150 = arith.constant 64 : index
        %get3A_151 = tpu.vector_load %arg9[%get3A_149, %get3A_150] {strides = array<i32>} : memref<80x128xf32, #tpu.memory_space<vmem>>, vector<1x16xf32>,
        %get3A_152 = vector.shape_cast %get3A_151 : vector<1x16xf32> to vector<16xf32>
        %get3A_153 = arith.index_cast %add3A_94 : i32 to index
        %get3A_154 = arith.constant 64 : index
        %get3A_155 = tpu.vector_load %arg11[%get3A_153, %get3A_154] {strides = array<i32>} : memref<80x128xf32, #tpu.memory_space<vmem>>, vector<1x16xf32>,
        %get3A_156 = vector.shape_cast %get3A_155 : vector<1x16xf32> to vector<16xf32>
        %mul3A_157 = arith.mulf %get3A_152, %get3A_156 : vector<16xf32>
        %swap3A_158 = arith.index_cast %add3A_94 : i32 to index
        %swap3A_159 = arith.constant 64 : index
        %swap3A_160 = tpu.vector_load %arg9[%swap3A_158, %swap3A_159] {strides = array<i32>} : memref<80x128xf32, #tpu.memory_space<vmem>>, vector<1x16xf32>,
        %swap3A_161 = vector.shape_cast %swap3A_160 : vector<1x16xf32> to vector<16xf32>
        %swap3A_162 = vector.shape_cast %mul3A_157 : vector<16xf32> to vector<1x16xf32>
        tpu.vector_store %arg9[%swap3A_158, %swap3A_159], %swap3A_162 {strides = array<i32>} : memref<80x128xf32, #tpu.memory_space<vmem>>, vector<1x16xf32>,
        %get3A_163 = arith.index_cast %add3A_94 : i32 to index
        %get3A_164 = arith.constant 80 : index
        %get3A_165 = tpu.vector_load %arg9[%get3A_163, %get3A_164] {strides = array<i32>} : memref<80x128xf32, #tpu.memory_space<vmem>>, vector<1x16xf32>,
        %get3A_166 = vector.shape_cast %get3A_165 : vector<1x16xf32> to vector<16xf32>
        %get3A_167 = arith.index_cast %add3A_94 : i32 to index
        %get3A_168 = arith.constant 80 : index
        %get3A_169 = tpu.vector_load %arg11[%get3A_167, %get3A_168] {strides = array<i32>} : memref<80x128xf32, #tpu.memory_space<vmem>>, vector<1x16xf32>,
        %get3A_170 = vector.shape_cast %get3A_169 : vector<1x16xf32> to vector<16xf32>
        %mul3A_171 = arith.mulf %get3A_166, %get3A_170 : vector<16xf32>
        %swap3A_172 = arith.index_cast %add3A_94 : i32 to index
        %swap3A_173 = arith.constant 80 : index
        %swap3A_174 = tpu.vector_load %arg9[%swap3A_172, %swap3A_173] {strides = array<i32>} : memref<80x128xf32, #tpu.memory_space<vmem>>, vector<1x16xf32>,
        %swap3A_175 = vector.shape_cast %swap3A_174 : vector<1x16xf32> to vector<16xf32>
        %swap3A_176 = vector.shape_cast %mul3A_171 : vector<16xf32> to vector<1x16xf32>
        tpu.vector_store %arg9[%swap3A_172, %swap3A_173], %swap3A_176 {strides = array<i32>} : memref<80x128xf32, #tpu.memory_space<vmem>>, vector<1x16xf32>,
        %get3A_177 = arith.index_cast %add3A_94 : i32 to index
        %get3A_178 = arith.constant 96 : index
        %get3A_179 = tpu.vector_load %arg9[%get3A_177, %get3A_178] {strides = array<i32>} : memref<80x128xf32, #tpu.memory_space<vmem>>, vector<1x16xf32>,
        %get3A_180 = vector.shape_cast %get3A_179 : vector<1x16xf32> to vector<16xf32>
        %get3A_181 = arith.index_cast %add3A_94 : i32 to index
        %get3A_182 = arith.constant 96 : index
        %get3A_183 = tpu.vector_load %arg11[%get3A_181, %get3A_182] {strides = array<i32>} : memref<80x128xf32, #tpu.memory_space<vmem>>, vector<1x16xf32>,
        %get3A_184 = vector.shape_cast %get3A_183 : vector<1x16xf32> to vector<16xf32>
        %mul3A_185 = arith.mulf %get3A_180, %get3A_184 : vector<16xf32>
        %swap3A_186 = arith.index_cast %add3A_94 : i32 to index
        %swap3A_187 = arith.constant 96 : index
        %swap3A_188 = tpu.vector_load %arg9[%swap3A_186, %swap3A_187] {strides = array<i32>} : memref<80x128xf32, #tpu.memory_space<vmem>>, vector<1x16xf32>,
        %swap3A_189 = vector.shape_cast %swap3A_188 : vector<1x16xf32> to vector<16xf32>
        %swap3A_190 = vector.shape_cast %mul3A_185 : vector<16xf32> to vector<1x16xf32>
        tpu.vector_store %arg9[%swap3A_186, %swap3A_187], %swap3A_190 {strides = array<i32>} : memref<80x128xf32, #tpu.memory_space<vmem>>, vector<1x16xf32>,
        %get3A_191 = arith.index_cast %add3A_94 : i32 to index
        %get3A_192 = arith.constant 112 : index
        %get3A_193 = tpu.vector_load %arg9[%get3A_191, %get3A_192] {strides = array<i32>} : memref<80x128xf32, #tpu.memory_space<vmem>>, vector<1x16xf32>,
        %get3A_194 = vector.shape_cast %get3A_193 : vector<1x16xf32> to vector<16xf32>
        %get3A_195 = arith.index_cast %add3A_94 : i32 to index
        %get3A_196 = arith.constant 112 : index
        %get3A_197 = tpu.vector_load %arg11[%get3A_195, %get3A_196] {strides = array<i32>} : memref<80x128xf32, #tpu.memory_space<vmem>>, vector<1x16xf32>,
        %get3A_198 = vector.shape_cast %get3A_197 : vector<1x16xf32> to vector<16xf32>
        %mul3A_199 = arith.mulf %get3A_194, %get3A_198 : vector<16xf32>
        %swap3A_200 = arith.index_cast %add3A_94 : i32 to index
        %swap3A_201 = arith.constant 112 : index
        %swap3A_202 = tpu.vector_load %arg9[%swap3A_200, %swap3A_201] {strides = array<i32>} : memref<80x128xf32, #tpu.memory_space<vmem>>, vector<1x16xf32>,
        %swap3A_203 = vector.shape_cast %swap3A_202 : vector<1x16xf32> to vector<16xf32>
        %swap3A_204 = vector.shape_cast %mul3A_199 : vector<16xf32> to vector<1x16xf32>
        tpu.vector_store %arg9[%swap3A_200, %swap3A_201], %swap3A_204 {strides = array<i32>} : memref<80x128xf32, #tpu.memory_space<vmem>>, vector<1x16xf32>,
        %add3A_205 = arith.constant 1 : i32
        %add3A_206 = arith.addi %add3A_92, %add3A_205 : i32
        %get3A_207 = arith.index_cast %add3A_206 : i32 to index
        %get3A_208 = arith.constant 0 : index
        %get3A_209 = tpu.vector_load %arg9[%get3A_207, %get3A_208] {strides = array<i32>} : memref<80x128xf32, #tpu.memory_space<vmem>>, vector<1x16xf32>,
        %get3A_210 = vector.shape_cast %get3A_209 : vector<1x16xf32> to vector<16xf32>
        %get3A_211 = arith.index_cast %add3A_206 : i32 to index
        %get3A_212 = arith.constant 0 : index
        %get3A_213 = tpu.vector_load %arg11[%get3A_211, %get3A_212] {strides = array<i32>} : memref<80x128xf32, #tpu.memory_space<vmem>>, vector<1x16xf32>,
        %get3A_214 = vector.shape_cast %get3A_213 : vector<1x16xf32> to vector<16xf32>
        %mul3A_215 = arith.mulf %get3A_210, %get3A_214 : vector<16xf32>
        %swap3A_216 = arith.index_cast %add3A_206 : i32 to index
        %swap3A_217 = arith.constant 0 : index
        %swap3A_218 = tpu.vector_load %arg9[%swap3A_216, %swap3A_217] {strides = array<i32>} : memref<80x128xf32, #tpu.memory_space<vmem>>, vector<1x16xf32>,
        %swap3A_219 = vector.shape_cast %swap3A_218 : vector<1x16xf32> to vector<16xf32>
        %swap3A_220 = vector.shape_cast %mul3A_215 : vector<16xf32> to vector<1x16xf32>
        tpu.vector_store %arg9[%swap3A_216, %swap3A_217], %swap3A_220 {strides = array<i32>} : memref<80x128xf32, #tpu.memory_space<vmem>>, vector<1x16xf32>,
        %get3A_221 = arith.index_cast %add3A_206 : i32 to index
        %get3A_222 = arith.constant 16 : index
        %get3A_223 = tpu.vector_load %arg9[%get3A_221, %get3A_222] {strides = array<i32>} : memref<80x128xf32, #tpu.memory_space<vmem>>, vector<1x16xf32>,
        %get3A_224 = vector.shape_cast %get3A_223 : vector<1x16xf32> to vector<16xf32>
        %get3A_225 = arith.index_cast %add3A_206 : i32 to index
        %get3A_226 = arith.constant 16 : index
        %get3A_227 = tpu.vector_load %arg11[%get3A_225, %get3A_226] {strides = array<i32>} : memref<80x128xf32, #tpu.memory_space<vmem>>, vector<1x16xf32>,
        %get3A_228 = vector.shape_cast %get3A_227 : vector<1x16xf32> to vector<16xf32>
        %mul3A_229 = arith.mulf %get3A_224, %get3A_228 : vector<16xf32>
        %swap3A_230 = arith.index_cast %add3A_206 : i32 to index
        %swap3A_231 = arith.constant 16 : index
        %swap3A_232 = tpu.vector_load %arg9[%swap3A_230, %swap3A_231] {strides = array<i32>} : memref<80x128xf32, #tpu.memory_space<vmem>>, vector<1x16xf32>,
        %swap3A_233 = vector.shape_cast %swap3A_232 : vector<1x16xf32> to vector<16xf32>
        %swap3A_234 = vector.shape_cast %mul3A_229 : vector<16xf32> to vector<1x16xf32>
        tpu.vector_store %arg9[%swap3A_230, %swap3A_231], %swap3A_234 {strides = array<i32>} : memref<80x128xf32, #tpu.memory_space<vmem>>, vector<1x16xf32>,
        %get3A_235 = arith.index_cast %add3A_206 : i32 to index
        %get3A_236 = arith.constant 32 : index
        %get3A_237 = tpu.vector_load %arg9[%get3A_235, %get3A_236] {strides = array<i32>} : memref<80x128xf32, #tpu.memory_space<vmem>>, vector<1x16xf32>,
        %get3A_238 = vector.shape_cast %get3A_237 : vector<1x16xf32> to vector<16xf32>
        %get3A_239 = arith.index_cast %add3A_206 : i32 to index
        %get3A_240 = arith.constant 32 : index
        %get3A_241 = tpu.vector_load %arg11[%get3A_239, %get3A_240] {strides = array<i32>} : memref<80x128xf32, #tpu.memory_space<vmem>>, vector<1x16xf32>,
        %get3A_242 = vector.shape_cast %get3A_241 : vector<1x16xf32> to vector<16xf32>
        %mul3A_243 = arith.mulf %get3A_238, %get3A_242 : vector<16xf32>
        %swap3A_244 = arith.index_cast %add3A_206 : i32 to index
        %swap3A_245 = arith.constant 32 : index
        %swap3A_246 = tpu.vector_load %arg9[%swap3A_244, %swap3A_245] {strides = array<i32>} : memref<80x128xf32, #tpu.memory_space<vmem>>, vector<1x16xf32>,
        %swap3A_247 = vector.shape_cast %swap3A_246 : vector<1x16xf32> to vector<16xf32>
        %swap3A_248 = vector.shape_cast %mul3A_243 : vector<16xf32> to vector<1x16xf32>
        tpu.vector_store %arg9[%swap3A_244, %swap3A_245], %swap3A_248 {strides = array<i32>} : memref<80x128xf32, #tpu.memory_space<vmem>>, vector<1x16xf32>,
        %get3A_249 = arith.index_cast %add3A_206 : i32 to index
        %get3A_250 = arith.constant 48 : index
        %get3A_251 = tpu.vector_load %arg9[%get3A_249, %get3A_250] {strides = array<i32>} : memref<80x128xf32, #tpu.memory_space<vmem>>, vector<1x16xf32>,
        %get3A_252 = vector.shape_cast %get3A_251 : vector<1x16xf32> to vector<16xf32>
        %get3A_253 = arith.index_cast %add3A_206 : i32 to index
        %get3A_254 = arith.constant 48 : index
        %get3A_255 = tpu.vector_load %arg11[%get3A_253, %get3A_254] {strides = array<i32>} : memref<80x128xf32, #tpu.memory_space<vmem>>, vector<1x16xf32>,
        %get3A_256 = vector.shape_cast %get3A_255 : vector<1x16xf32> to vector<16xf32>
        %mul3A_257 = arith.mulf %get3A_252, %get3A_256 : vector<16xf32>
        %swap3A_258 = arith.index_cast %add3A_206 : i32 to index
        %swap3A_259 = arith.constant 48 : index
        %swap3A_260 = tpu.vector_load %arg9[%swap3A_258, %swap3A_259] {strides = array<i32>} : memref<80x128xf32, #tpu.memory_space<vmem>>, vector<1x16xf32>,
        %swap3A_261 = vector.shape_cast %swap3A_260 : vector<1x16xf32> to vector<16xf32>
        %swap3A_262 = vector.shape_cast %mul3A_257 : vector<16xf32> to vector<1x16xf32>
        tpu.vector_store %arg9[%swap3A_258, %swap3A_259], %swap3A_262 {strides = array<i32>} : memref<80x128xf32, #tpu.memory_space<vmem>>, vector<1x16xf32>,
        %get3A_263 = arith.index_cast %add3A_206 : i32 to index
        %get3A_264 = arith.constant 64 : index
        %get3A_265 = tpu.vector_load %arg9[%get3A_263, %get3A_264] {strides = array<i32>} : memref<80x128xf32, #tpu.memory_space<vmem>>, vector<1x16xf32>,
        %get3A_266 = vector.shape_cast %get3A_265 : vector<1x16xf32> to vector<16xf32>
        %get3A_267 = arith.index_cast %add3A_206 : i32 to index
        %get3A_268 = arith.constant 64 : index
        %get3A_269 = tpu.vector_load %arg11[%get3A_267, %get3A_268] {strides = array<i32>} : memref<80x128xf32, #tpu.memory_space<vmem>>, vector<1x16xf32>,
        %get3A_270 = vector.shape_cast %get3A_269 : vector<1x16xf32> to vector<16xf32>
        %mul3A_271 = arith.mulf %get3A_266, %get3A_270 : vector<16xf32>
        %swap3A_272 = arith.index_cast %add3A_206 : i32 to index
        %swap3A_273 = arith.constant 64 : index
        %swap3A_274 = tpu.vector_load %arg9[%swap3A_272, %swap3A_273] {strides = array<i32>} : memref<80x128xf32, #tpu.memory_space<vmem>>, vector<1x16xf32>,
        %swap3A_275 = vector.shape_cast %swap3A_274 : vector<1x16xf32> to vector<16xf32>
        %swap3A_276 = vector.shape_cast %mul3A_271 : vector<16xf32> to vector<1x16xf32>
        tpu.vector_store %arg9[%swap3A_272, %swap3A_273], %swap3A_276 {strides = array<i32>} : memref<80x128xf32, #tpu.memory_space<vmem>>, vector<1x16xf32>,
        %get3A_277 = arith.index_cast %add3A_206 : i32 to index
        %get3A_278 = arith.constant 80 : index
        %get3A_279 = tpu.vector_load %arg9[%get3A_277, %get3A_278] {strides = array<i32>} : memref<80x128xf32, #tpu.memory_space<vmem>>, vector<1x16xf32>,
        %get3A_280 = vector.shape_cast %get3A_279 : vector<1x16xf32> to vector<16xf32>
        %get3A_281 = arith.index_cast %add3A_206 : i32 to index
        %get3A_282 = arith.constant 80 : index
        %get3A_283 = tpu.vector_load %arg11[%get3A_281, %get3A_282] {strides = array<i32>} : memref<80x128xf32, #tpu.memory_space<vmem>>, vector<1x16xf32>,
        %get3A_284 = vector.shape_cast %get3A_283 : vector<1x16xf32> to vector<16xf32>
        %mul3A_285 = arith.mulf %get3A_280, %get3A_284 : vector<16xf32>
        %swap3A_286 = arith.index_cast %add3A_206 : i32 to index
        %swap3A_287 = arith.constant 80 : index
        %swap3A_288 = tpu.vector_load %arg9[%swap3A_286, %swap3A_287] {strides = array<i32>} : memref<80x128xf32, #tpu.memory_space<vmem>>, vector<1x16xf32>,
        %swap3A_289 = vector.shape_cast %swap3A_288 : vector<1x16xf32> to vector<16xf32>
        %swap3A_290 = vector.shape_cast %mul3A_285 : vector<16xf32> to vector<1x16xf32>
        tpu.vector_store %arg9[%swap3A_286, %swap3A_287], %swap3A_290 {strides = array<i32>} : memref<80x128xf32, #tpu.memory_space<vmem>>, vector<1x16xf32>,
        %get3A_291 = arith.index_cast %add3A_206 : i32 to index
        %get3A_292 = arith.constant 96 : index
        %get3A_293 = tpu.vector_load %arg9[%get3A_291, %get3A_292] {strides = array<i32>} : memref<80x128xf32, #tpu.memory_space<vmem>>, vector<1x16xf32>,
        %get3A_294 = vector.shape_cast %get3A_293 : vector<1x16xf32> to vector<16xf32>
        %get3A_295 = arith.index_cast %add3A_206 : i32 to index
        %get3A_296 = arith.constant 96 : index
        %get3A_297 = tpu.vector_load %arg11[%get3A_295, %get3A_296] {strides = array<i32>} : memref<80x128xf32, #tpu.memory_space<vmem>>, vector<1x16xf32>,
        %get3A_298 = vector.shape_cast %get3A_297 : vector<1x16xf32> to vector<16xf32>
        %mul3A_299 = arith.mulf %get3A_294, %get3A_298 : vector<16xf32>
        %swap3A_300 = arith.index_cast %add3A_206 : i32 to index
        %swap3A_301 = arith.constant 96 : index
        %swap3A_302 = tpu.vector_load %arg9[%swap3A_300, %swap3A_301] {strides = array<i32>} : memref<80x128xf32, #tpu.memory_space<vmem>>, vector<1x16xf32>,
        %swap3A_303 = vector.shape_cast %swap3A_302 : vector<1x16xf32> to vector<16xf32>
        %swap3A_304 = vector.shape_cast %mul3A_299 : vector<16xf32> to vector<1x16xf32>
        tpu.vector_store %arg9[%swap3A_300, %swap3A_301], %swap3A_304 {strides = array<i32>} : memref<80x128xf32, #tpu.memory_space<vmem>>, vector<1x16xf32>,
        %get3A_305 = arith.index_cast %add3A_206 : i32 to index
        %get3A_306 = arith.constant 112 : index
        %get3A_307 = tpu.vector_load %arg9[%get3A_305, %get3A_306] {strides = array<i32>} : memref<80x128xf32, #tpu.memory_space<vmem>>, vector<1x16xf32>,
        %get3A_308 = vector.shape_cast %get3A_307 : vector<1x16xf32> to vector<16xf32>
        %get3A_309 = arith.index_cast %add3A_206 : i32 to index
        %get3A_310 = arith.constant 112 : index
        %get3A_311 = tpu.vector_load %arg11[%get3A_309, %get3A_310] {strides = array<i32>} : memref<80x128xf32, #tpu.memory_space<vmem>>, vector<1x16xf32>,
        %get3A_312 = vector.shape_cast %get3A_311 : vector<1x16xf32> to vector<16xf32>
        %mul3A_313 = arith.mulf %get3A_308, %get3A_312 : vector<16xf32>
        %swap3A_314 = arith.index_cast %add3A_206 : i32 to index
        %swap3A_315 = arith.constant 112 : index
        %swap3A_316 = tpu.vector_load %arg9[%swap3A_314, %swap3A_315] {strides = array<i32>} : memref<80x128xf32, #tpu.memory_space<vmem>>, vector<1x16xf32>,
        %swap3A_317 = vector.shape_cast %swap3A_316 : vector<1x16xf32> to vector<16xf32>
        %swap3A_318 = vector.shape_cast %mul3A_313 : vector<16xf32> to vector<1x16xf32>
        tpu.vector_store %arg9[%swap3A_314, %swap3A_315], %swap3A_318 {strides = array<i32>} : memref<80x128xf32, #tpu.memory_space<vmem>>, vector<1x16xf32>,
        %add3A_319 = arith.constant 2 : i32
        %add3A_320 = arith.addi %add3A_92, %add3A_319 : i32
        %get3A_321 = arith.index_cast %add3A_320 : i32 to index
        %get3A_322 = arith.constant 0 : index
        %get3A_323 = tpu.vector_load %arg9[%get3A_321, %get3A_322] {strides = array<i32>} : memref<80x128xf32, #tpu.memory_space<vmem>>, vector<1x16xf32>,
        %get3A_324 = vector.shape_cast %get3A_323 : vector<1x16xf32> to vector<16xf32>
        %get3A_325 = arith.index_cast %add3A_320 : i32 to index
        %get3A_326 = arith.constant 0 : index
        %get3A_327 = tpu.vector_load %arg11[%get3A_325, %get3A_326] {strides = array<i32>} : memref<80x128xf32, #tpu.memory_space<vmem>>, vector<1x16xf32>,
        %get3A_328 = vector.shape_cast %get3A_327 : vector<1x16xf32> to vector<16xf32>
        %mul3A_329 = arith.mulf %get3A_324, %get3A_328 : vector<16xf32>
        %swap3A_330 = arith.index_cast %add3A_320 : i32 to index
        %swap3A_331 = arith.constant 0 : index
        %swap3A_332 = tpu.vector_load %arg9[%swap3A_330, %swap3A_331] {strides = array<i32>} : memref<80x128xf32, #tpu.memory_space<vmem>>, vector<1x16xf32>,
        %swap3A_333 = vector.shape_cast %swap3A_332 : vector<1x16xf32> to vector<16xf32>
        %swap3A_334 = vector.shape_cast %mul3A_329 : vector<16xf32> to vector<1x16xf32>
        tpu.vector_store %arg9[%swap3A_330, %swap3A_331], %swap3A_334 {strides = array<i32>} : memref<80x128xf32, #tpu.memory_space<vmem>>, vector<1x16xf32>,
        %get3A_335 = arith.index_cast %add3A_320 : i32 to index
        %get3A_336 = arith.constant 16 : index
        %get3A_337 = tpu.vector_load %arg9[%get3A_335, %get3A_336] {strides = array<i32>} : memref<80x128xf32, #tpu.memory_space<vmem>>, vector<1x16xf32>,
        %get3A_338 = vector.shape_cast %get3A_337 : vector<1x16xf32> to vector<16xf32>
        %get3A_339 = arith.index_cast %add3A_320 : i32 to index
        %get3A_340 = arith.constant 16 : index
        %get3A_341 = tpu.vector_load %arg11[%get3A_339, %get3A_340] {strides = array<i32>} : memref<80x128xf32, #tpu.memory_space<vmem>>, vector<1x16xf32>,
        %get3A_342 = vector.shape_cast %get3A_341 : vector<1x16xf32> to vector<16xf32>
        %mul3A_343 = arith.mulf %get3A_338, %get3A_342 : vector<16xf32>
        %swap3A_344 = arith.index_cast %add3A_320 : i32 to index
        %swap3A_345 = arith.constant 16 : index
        %swap3A_346 = tpu.vector_load %arg9[%swap3A_344, %swap3A_345] {strides = array<i32>} : memref<80x128xf32, #tpu.memory_space<vmem>>, vector<1x16xf32>,
        %swap3A_347 = vector.shape_cast %swap3A_346 : vector<1x16xf32> to vector<16xf32>
        %swap3A_348 = vector.shape_cast %mul3A_343 : vector<16xf32> to vector<1x16xf32>
        tpu.vector_store %arg9[%swap3A_344, %swap3A_345], %swap3A_348 {strides = array<i32>} : memref<80x128xf32, #tpu.memory_space<vmem>>, vector<1x16xf32>,
        %get3A_349 = arith.index_cast %add3A_320 : i32 to index
        %get3A_350 = arith.constant 32 : index
        %get3A_351 = tpu.vector_load %arg9[%get3A_349, %get3A_350] {strides = array<i32>} : memref<80x128xf32, #tpu.memory_space<vmem>>, vector<1x16xf32>,
        %get3A_352 = vector.shape_cast %get3A_351 : vector<1x16xf32> to vector<16xf32>
        %get3A_353 = arith.index_cast %add3A_320 : i32 to index
        %get3A_354 = arith.constant 32 : index
        %get3A_355 = tpu.vector_load %arg11[%get3A_353, %get3A_354] {strides = array<i32>} : memref<80x128xf32, #tpu.memory_space<vmem>>, vector<1x16xf32>,
        %get3A_356 = vector.shape_cast %get3A_355 : vector<1x16xf32> to vector<16xf32>
        %mul3A_357 = arith.mulf %get3A_352, %get3A_356 : vector<16xf32>
        %swap3A_358 = arith.index_cast %add3A_320 : i32 to index
        %swap3A_359 = arith.constant 32 : index
        %swap3A_360 = tpu.vector_load %arg9[%swap3A_358, %swap3A_359] {strides = array<i32>} : memref<80x128xf32, #tpu.memory_space<vmem>>, vector<1x16xf32>,
        %swap3A_361 = vector.shape_cast %swap3A_360 : vector<1x16xf32> to vector<16xf32>
        %swap3A_362 = vector.shape_cast %mul3A_357 : vector<16xf32> to vector<1x16xf32>
        tpu.vector_store %arg9[%swap3A_358, %swap3A_359], %swap3A_362 {strides = array<i32>} : memref<80x128xf32, #tpu.memory_space<vmem>>, vector<1x16xf32>,
        %get3A_363 = arith.index_cast %add3A_320 : i32 to index
        %get3A_364 = arith.constant 48 : index
        %get3A_365 = tpu.vector_load %arg9[%get3A_363, %get3A_364] {strides = array<i32>} : memref<80x128xf32, #tpu.memory_space<vmem>>, vector<1x16xf32>,
        %get3A_366 = vector.shape_cast %get3A_365 : vector<1x16xf32> to vector<16xf32>
        %get3A_367 = arith.index_cast %add3A_320 : i32 to index
        %get3A_368 = arith.constant 48 : index
        %get3A_369 = tpu.vector_load %arg11[%get3A_367, %get3A_368] {strides = array<i32>} : memref<80x128xf32, #tpu.memory_space<vmem>>, vector<1x16xf32>,
        %get3A_370 = vector.shape_cast %get3A_369 : vector<1x16xf32> to vector<16xf32>
        %mul3A_371 = arith.mulf %get3A_366, %get3A_370 : vector<16xf32>
        %swap3A_372 = arith.index_cast %add3A_320 : i32 to index
        %swap3A_373 = arith.constant 48 : index
        %swap3A_374 = tpu.vector_load %arg9[%swap3A_372, %swap3A_373] {strides = array<i32>} : memref<80x128xf32, #tpu.memory_space<vmem>>, vector<1x16xf32>,
        %swap3A_375 = vector.shape_cast %swap3A_374 : vector<1x16xf32> to vector<16xf32>
        %swap3A_376 = vector.shape_cast %mul3A_371 : vector<16xf32> to vector<1x16xf32>
        tpu.vector_store %arg9[%swap3A_372, %swap3A_373], %swap3A_376 {strides = array<i32>} : memref<80x128xf32, #tpu.memory_space<vmem>>, vector<1x16xf32>,
        %get3A_377 = arith.index_cast %add3A_320 : i32 to index
        %get3A_378 = arith.constant 64 : index
        %get3A_379 = tpu.vector_load %arg9[%get3A_377, %get3A_378] {strides = array<i32>} : memref<80x128xf32, #tpu.memory_space<vmem>>, vector<1x16xf32>,
        %get3A_380 = vector.shape_cast %get3A_379 : vector<1x16xf32> to vector<16xf32>
        %get3A_381 = arith.index_cast %add3A_320 : i32 to index
        %get3A_382 = arith.constant 64 : index
        %get3A_383 = tpu.vector_load %arg11[%get3A_381, %get3A_382] {strides = array<i32>} : memref<80x128xf32, #tpu.memory_space<vmem>>, vector<1x16xf32>,
        %get3A_384 = vector.shape_cast %get3A_383 : vector<1x16xf32> to vector<16xf32>
        %mul3A_385 = arith.mulf %get3A_380, %get3A_384 : vector<16xf32>
        %swap3A_386 = arith.index_cast %add3A_320 : i32 to index
        %swap3A_387 = arith.constant 64 : index
        %swap3A_388 = tpu.vector_load %arg9[%swap3A_386, %swap3A_387] {strides = array<i32>} : memref<80x128xf32, #tpu.memory_space<vmem>>, vector<1x16xf32>,
        %swap3A_389 = vector.shape_cast %swap3A_388 : vector<1x16xf32> to vector<16xf32>
        %swap3A_390 = vector.shape_cast %mul3A_385 : vector<16xf32> to vector<1x16xf32>
        tpu.vector_store %arg9[%swap3A_386, %swap3A_387], %swap3A_390 {strides = array<i32>} : memref<80x128xf32, #tpu.memory_space<vmem>>, vector<1x16xf32>,
        %get3A_391 = arith.index_cast %add3A_320 : i32 to index
        %get3A_392 = arith.constant 80 : index
        %get3A_393 = tpu.vector_load %arg9[%get3A_391, %get3A_392] {strides = array<i32>} : memref<80x128xf32, #tpu.memory_space<vmem>>, vector<1x16xf32>,
        %get3A_394 = vector.shape_cast %get3A_393 : vector<1x16xf32> to vector<16xf32>
        %get3A_395 = arith.index_cast %add3A_320 : i32 to index
        %get3A_396 = arith.constant 80 : index
        %get3A_397 = tpu.vector_load %arg11[%get3A_395, %get3A_396] {strides = array<i32>} : memref<80x128xf32, #tpu.memory_space<vmem>>, vector<1x16xf32>,
        %get3A_398 = vector.shape_cast %get3A_397 : vector<1x16xf32> to vector<16xf32>
        %mul3A_399 = arith.mulf %get3A_394, %get3A_398 : vector<16xf32>
        %swap3A_400 = arith.index_cast %add3A_320 : i32 to index
        %swap3A_401 = arith.constant 80 : index
        %swap3A_402 = tpu.vector_load %arg9[%swap3A_400, %swap3A_401] {strides = array<i32>} : memref<80x128xf32, #tpu.memory_space<vmem>>, vector<1x16xf32>,
        %swap3A_403 = vector.shape_cast %swap3A_402 : vector<1x16xf32> to vector<16xf32>
        %swap3A_404 = vector.shape_cast %mul3A_399 : vector<16xf32> to vector<1x16xf32>
        tpu.vector_store %arg9[%swap3A_400, %swap3A_401], %swap3A_404 {strides = array<i32>} : memref<80x128xf32, #tpu.memory_space<vmem>>, vector<1x16xf32>,
        %get3A_405 = arith.index_cast %add3A_320 : i32 to index
        %get3A_406 = arith.constant 96 : index
        %get3A_407 = tpu.vector_load %arg9[%get3A_405, %get3A_406] {strides = array<i32>} : memref<80x128xf32, #tpu.memory_space<vmem>>, vector<1x16xf32>,
        %get3A_408 = vector.shape_cast %get3A_407 : vector<1x16xf32> to vector<16xf32>
        %get3A_409 = arith.index_cast %add3A_320 : i32 to index
        %get3A_410 = arith.constant 96 : index
        %get3A_411 = tpu.vector_load %arg11[%get3A_409, %get3A_410] {strides = array<i32>} : memref<80x128xf32, #tpu.memory_space<vmem>>, vector<1x16xf32>,
        %get3A_412 = vector.shape_cast %get3A_411 : vector<1x16xf32> to vector<16xf32>
        %mul3A_413 = arith.mulf %get3A_408, %get3A_412 : vector<16xf32>
        %swap3A_414 = arith.index_cast %add3A_320 : i32 to index
        %swap3A_415 = arith.constant 96 : index
        %swap3A_416 = tpu.vector_load %arg9[%swap3A_414, %swap3A_415] {strides = array<i32>} : memref<80x128xf32, #tpu.memory_space<vmem>>, vector<1x16xf32>,
        %swap3A_417 = vector.shape_cast %swap3A_416 : vector<1x16xf32> to vector<16xf32>
        %swap3A_418 = vector.shape_cast %mul3A_413 : vector<16xf32> to vector<1x16xf32>
        tpu.vector_store %arg9[%swap3A_414, %swap3A_415], %swap3A_418 {strides = array<i32>} : memref<80x128xf32, #tpu.memory_space<vmem>>, vector<1x16xf32>,
        %get3A_419 = arith.index_cast %add3A_320 : i32 to index
        %get3A_420 = arith.constant 112 : index
        %get3A_421 = tpu.vector_load %arg9[%get3A_419, %get3A_420] {strides = array<i32>} : memref<80x128xf32, #tpu.memory_space<vmem>>, vector<1x16xf32>,
        %get3A_422 = vector.shape_cast %get3A_421 : vector<1x16xf32> to vector<16xf32>
        %get3A_423 = arith.index_cast %add3A_320 : i32 to index
        %get3A_424 = arith.constant 112 : index
        %get3A_425 = tpu.vector_load %arg11[%get3A_423, %get3A_424] {strides = array<i32>} : memref<80x128xf32, #tpu.memory_space<vmem>>, vector<1x16xf32>,
        %get3A_426 = vector.shape_cast %get3A_425 : vector<1x16xf32> to vector<16xf32>
        %mul3A_427 = arith.mulf %get3A_422, %get3A_426 : vector<16xf32>
        %swap3A_428 = arith.index_cast %add3A_320 : i32 to index
        %swap3A_429 = arith.constant 112 : index
        %swap3A_430 = tpu.vector_load %arg9[%swap3A_428, %swap3A_429] {strides = array<i32>} : memref<80x128xf32, #tpu.memory_space<vmem>>, vector<1x16xf32>,
        %swap3A_431 = vector.shape_cast %swap3A_430 : vector<1x16xf32> to vector<16xf32>
        %swap3A_432 = vector.shape_cast %mul3A_427 : vector<16xf32> to vector<1x16xf32>
        tpu.vector_store %arg9[%swap3A_428, %swap3A_429], %swap3A_432 {strides = array<i32>} : memref<80x128xf32, #tpu.memory_space<vmem>>, vector<1x16xf32>,
        %add3A_433 = arith.constant 3 : i32
        %add3A_434 = arith.addi %add3A_92, %add3A_433 : i32
        %get3A_435 = arith.index_cast %add3A_434 : i32 to index
        %get3A_436 = arith.constant 0 : index
        %get3A_437 = tpu.vector_load %arg9[%get3A_435, %get3A_436] {strides = array<i32>} : memref<80x128xf32, #tpu.memory_space<vmem>>, vector<1x16xf32>,
        %get3A_438 = vector.shape_cast %get3A_437 : vector<1x16xf32> to vector<16xf32>
        %get3A_439 = arith.index_cast %add3A_434 : i32 to index
        %get3A_440 = arith.constant 0 : index
        %get3A_441 = tpu.vector_load %arg11[%get3A_439, %get3A_440] {strides = array<i32>} : memref<80x128xf32, #tpu.memory_space<vmem>>, vector<1x16xf32>,
        %get3A_442 = vector.shape_cast %get3A_441 : vector<1x16xf32> to vector<16xf32>
        %mul3A_443 = arith.mulf %get3A_438, %get3A_442 : vector<16xf32>
        %swap3A_444 = arith.index_cast %add3A_434 : i32 to index
        %swap3A_445 = arith.constant 0 : index
        %swap3A_446 = tpu.vector_load %arg9[%swap3A_444, %swap3A_445] {strides = array<i32>} : memref<80x128xf32, #tpu.memory_space<vmem>>, vector<1x16xf32>,
        %swap3A_447 = vector.shape_cast %swap3A_446 : vector<1x16xf32> to vector<16xf32>
        %swap3A_448 = vector.shape_cast %mul3A_443 : vector<16xf32> to vector<1x16xf32>
        tpu.vector_store %arg9[%swap3A_444, %swap3A_445], %swap3A_448 {strides = array<i32>} : memref<80x128xf32, #tpu.memory_space<vmem>>, vector<1x16xf32>,
        %get3A_449 = arith.index_cast %add3A_434 : i32 to index
        %get3A_450 = arith.constant 16 : index
        %get3A_451 = tpu.vector_load %arg9[%get3A_449, %get3A_450] {strides = array<i32>} : memref<80x128xf32, #tpu.memory_space<vmem>>, vector<1x16xf32>,
        %get3A_452 = vector.shape_cast %get3A_451 : vector<1x16xf32> to vector<16xf32>
        %get3A_453 = arith.index_cast %add3A_434 : i32 to index
        %get3A_454 = arith.constant 16 : index
        %get3A_455 = tpu.vector_load %arg11[%get3A_453, %get3A_454] {strides = array<i32>} : memref<80x128xf32, #tpu.memory_space<vmem>>, vector<1x16xf32>,
        %get3A_456 = vector.shape_cast %get3A_455 : vector<1x16xf32> to vector<16xf32>
        %mul3A_457 = arith.mulf %get3A_452, %get3A_456 : vector<16xf32>
        %swap3A_458 = arith.index_cast %add3A_434 : i32 to index
        %swap3A_459 = arith.constant 16 : index
        %swap3A_460 = tpu.vector_load %arg9[%swap3A_458, %swap3A_459] {strides = array<i32>} : memref<80x128xf32, #tpu.memory_space<vmem>>, vector<1x16xf32>,
        %swap3A_461 = vector.shape_cast %swap3A_460 : vector<1x16xf32> to vector<16xf32>
        %swap3A_462 = vector.shape_cast %mul3A_457 : vector<16xf32> to vector<1x16xf32>
        tpu.vector_store %arg9[%swap3A_458, %swap3A_459], %swap3A_462 {strides = array<i32>} : memref<80x128xf32, #tpu.memory_space<vmem>>, vector<1x16xf32>,
        %get3A_463 = arith.index_cast %add3A_434 : i32 to index
        %get3A_464 = arith.constant 32 : index
        %get3A_465 = tpu.vector_load %arg9[%get3A_463, %get3A_464] {strides = array<i32>} : memref<80x128xf32, #tpu.memory_space<vmem>>, vector<1x16xf32>,
        %get3A_466 = vector.shape_cast %get3A_465 : vector<1x16xf32> to vector<16xf32>
        %get3A_467 = arith.index_cast %add3A_434 : i32 to index
        %get3A_468 = arith.constant 32 : index
        %get3A_469 = tpu.vector_load %arg11[%get3A_467, %get3A_468] {strides = array<i32>} : memref<80x128xf32, #tpu.memory_space<vmem>>, vector<1x16xf32>,
        %get3A_470 = vector.shape_cast %get3A_469 : vector<1x16xf32> to vector<16xf32>
        %mul3A_471 = arith.mulf %get3A_466, %get3A_470 : vector<16xf32>
        %swap3A_472 = arith.index_cast %add3A_434 : i32 to index
        %swap3A_473 = arith.constant 32 : index
        %swap3A_474 = tpu.vector_load %arg9[%swap3A_472, %swap3A_473] {strides = array<i32>} : memref<80x128xf32, #tpu.memory_space<vmem>>, vector<1x16xf32>,
        %swap3A_475 = vector.shape_cast %swap3A_474 : vector<1x16xf32> to vector<16xf32>
        %swap3A_476 = vector.shape_cast %mul3A_471 : vector<16xf32> to vector<1x16xf32>
        tpu.vector_store %arg9[%swap3A_472, %swap3A_473], %swap3A_476 {strides = array<i32>} : memref<80x128xf32, #tpu.memory_space<vmem>>, vector<1x16xf32>,
        %get3A_477 = arith.index_cast %add3A_434 : i32 to index
        %get3A_478 = arith.constant 48 : index
        %get3A_479 = tpu.vector_load %arg9[%get3A_477, %get3A_478] {strides = array<i32>} : memref<80x128xf32, #tpu.memory_space<vmem>>, vector<1x16xf32>,
        %get3A_480 = vector.shape_cast %get3A_479 : vector<1x16xf32> to vector<16xf32>
        %get3A_481 = arith.index_cast %add3A_434 : i32 to index
        %get3A_482 = arith.constant 48 : index
        %get3A_483 = tpu.vector_load %arg11[%get3A_481, %get3A_482] {strides = array<i32>} : memref<80x128xf32, #tpu.memory_space<vmem>>, vector<1x16xf32>,
        %get3A_484 = vector.shape_cast %get3A_483 : vector<1x16xf32> to vector<16xf32>
        %mul3A_485 = arith.mulf %get3A_480, %get3A_484 : vector<16xf32>
        %swap3A_486 = arith.index_cast %add3A_434 : i32 to index
        %swap3A_487 = arith.constant 48 : index
        %swap3A_488 = tpu.vector_load %arg9[%swap3A_486, %swap3A_487] {strides = array<i32>} : memref<80x128xf32, #tpu.memory_space<vmem>>, vector<1x16xf32>,
        %swap3A_489 = vector.shape_cast %swap3A_488 : vector<1x16xf32> to vector<16xf32>
        %swap3A_490 = vector.shape_cast %mul3A_485 : vector<16xf32> to vector<1x16xf32>
        tpu.vector_store %arg9[%swap3A_486, %swap3A_487], %swap3A_490 {strides = array<i32>} : memref<80x128xf32, #tpu.memory_space<vmem>>, vector<1x16xf32>,
        %get3A_491 = arith.index_cast %add3A_434 : i32 to index
        %get3A_492 = arith.constant 64 : index
        %get3A_493 = tpu.vector_load %arg9[%get3A_491, %get3A_492] {strides = array<i32>} : memref<80x128xf32, #tpu.memory_space<vmem>>, vector<1x16xf32>,
        %get3A_494 = vector.shape_cast %get3A_493 : vector<1x16xf32> to vector<16xf32>
        %get3A_495 = arith.index_cast %add3A_434 : i32 to index
        %get3A_496 = arith.constant 64 : index
        %get3A_497 = tpu.vector_load %arg11[%get3A_495, %get3A_496] {strides = array<i32>} : memref<80x128xf32, #tpu.memory_space<vmem>>, vector<1x16xf32>,
        %get3A_498 = vector.shape_cast %get3A_497 : vector<1x16xf32> to vector<16xf32>
        %mul3A_499 = arith.mulf %get3A_494, %get3A_498 : vector<16xf32>
        %swap3A_500 = arith.index_cast %add3A_434 : i32 to index
        %swap3A_501 = arith.constant 64 : index
        %swap3A_502 = tpu.vector_load %arg9[%swap3A_500, %swap3A_501] {strides = array<i32>} : memref<80x128xf32, #tpu.memory_space<vmem>>, vector<1x16xf32>,
        %swap3A_503 = vector.shape_cast %swap3A_502 : vector<1x16xf32> to vector<16xf32>
        %swap3A_504 = vector.shape_cast %mul3A_499 : vector<16xf32> to vector<1x16xf32>
        tpu.vector_store %arg9[%swap3A_500, %swap3A_501], %swap3A_504 {strides = array<i32>} : memref<80x128xf32, #tpu.memory_space<vmem>>, vector<1x16xf32>,
        %get3A_505 = arith.index_cast %add3A_434 : i32 to index
        %get3A_506 = arith.constant 80 : index
        %get3A_507 = tpu.vector_load %arg9[%get3A_505, %get3A_506] {strides = array<i32>} : memref<80x128xf32, #tpu.memory_space<vmem>>, vector<1x16xf32>,
        %get3A_508 = vector.shape_cast %get3A_507 : vector<1x16xf32> to vector<16xf32>
        %get3A_509 = arith.index_cast %add3A_434 : i32 to index
        %get3A_510 = arith.constant 80 : index
        %get3A_511 = tpu.vector_load %arg11[%get3A_509, %get3A_510] {strides = array<i32>} : memref<80x128xf32, #tpu.memory_space<vmem>>, vector<1x16xf32>,
        %get3A_512 = vector.shape_cast %get3A_511 : vector<1x16xf32> to vector<16xf32>
        %mul3A_513 = arith.mulf %get3A_508, %get3A_512 : vector<16xf32>
        %swap3A_514 = arith.index_cast %add3A_434 : i32 to index
        %swap3A_515 = arith.constant 80 : index
        %swap3A_516 = tpu.vector_load %arg9[%swap3A_514, %swap3A_515] {strides = array<i32>} : memref<80x128xf32, #tpu.memory_space<vmem>>, vector<1x16xf32>,
        %swap3A_517 = vector.shape_cast %swap3A_516 : vector<1x16xf32> to vector<16xf32>
        %swap3A_518 = vector.shape_cast %mul3A_513 : vector<16xf32> to vector<1x16xf32>
        tpu.vector_store %arg9[%swap3A_514, %swap3A_515], %swap3A_518 {strides = array<i32>} : memref<80x128xf32, #tpu.memory_space<vmem>>, vector<1x16xf32>,
        %get3A_519 = arith.index_cast %add3A_434 : i32 to index
        %get3A_520 = arith.constant 96 : index
        %get3A_521 = tpu.vector_load %arg9[%get3A_519, %get3A_520] {strides = array<i32>} : memref<80x128xf32, #tpu.memory_space<vmem>>, vector<1x16xf32>,
        %get3A_522 = vector.shape_cast %get3A_521 : vector<1x16xf32> to vector<16xf32>
        %get3A_523 = arith.index_cast %add3A_434 : i32 to index
        %get3A_524 = arith.constant 96 : index
        %get3A_525 = tpu.vector_load %arg11[%get3A_523, %get3A_524] {strides = array<i32>} : memref<80x128xf32, #tpu.memory_space<vmem>>, vector<1x16xf32>,
        %get3A_526 = vector.shape_cast %get3A_525 : vector<1x16xf32> to vector<16xf32>
        %mul3A_527 = arith.mulf %get3A_522, %get3A_526 : vector<16xf32>
        %swap3A_528 = arith.index_cast %add3A_434 : i32 to index
        %swap3A_529 = arith.constant 96 : index
        %swap3A_530 = tpu.vector_load %arg9[%swap3A_528, %swap3A_529] {strides = array<i32>} : memref<80x128xf32, #tpu.memory_space<vmem>>, vector<1x16xf32>,
        %swap3A_531 = vector.shape_cast %swap3A_530 : vector<1x16xf32> to vector<16xf32>
        %swap3A_532 = vector.shape_cast %mul3A_527 : vector<16xf32> to vector<1x16xf32>
        tpu.vector_store %arg9[%swap3A_528, %swap3A_529], %swap3A_532 {strides = array<i32>} : memref<80x128xf32, #tpu.memory_space<vmem>>, vector<1x16xf32>,
        %get3A_533 = arith.index_cast %add3A_434 : i32 to index
        %get3A_534 = arith.constant 112 : index
        %get3A_535 = tpu.vector_load %arg9[%get3A_533, %get3A_534] {strides = array<i32>} : memref<80x128xf32, #tpu.memory_space<vmem>>, vector<1x16xf32>,
        %get3A_536 = vector.shape_cast %get3A_535 : vector<1x16xf32> to vector<16xf32>
        %get3A_537 = arith.index_cast %add3A_434 : i32 to index
        %get3A_538 = arith.constant 112 : index
        %get3A_539 = tpu.vector_load %arg11[%get3A_537, %get3A_538] {strides = array<i32>} : memref<80x128xf32, #tpu.memory_space<vmem>>, vector<1x16xf32>,
        %get3A_540 = vector.shape_cast %get3A_539 : vector<1x16xf32> to vector<16xf32>
        %mul3A_541 = arith.mulf %get3A_536, %get3A_540 : vector<16xf32>
        %swap3A_542 = arith.index_cast %add3A_434 : i32 to index
        %swap3A_543 = arith.constant 112 : index
        %swap3A_544 = tpu.vector_load %arg9[%swap3A_542, %swap3A_543] {strides = array<i32>} : memref<80x128xf32, #tpu.memory_space<vmem>>, vector<1x16xf32>,
        %swap3A_545 = vector.shape_cast %swap3A_544 : vector<1x16xf32> to vector<16xf32>
        %swap3A_546 = vector.shape_cast %mul3A_541 : vector<16xf32> to vector<1x16xf32>
        tpu.vector_store %arg9[%swap3A_542, %swap3A_543], %swap3A_546 {strides = array<i32>} : memref<80x128xf32, #tpu.memory_space<vmem>>, vector<1x16xf32>,
      }
      %scan3A_66 = arith.constant 20 : i32
      %dma_start3A_67 = arith.constant 1 : i32
      %dma_start3A_68 = arith.constant 0 : i32
      %dma_start3A_69 = tpu.memref_slice %arg7[%dma_start3A_67, %dma_start3A_68] : memref<2x80xi32, #tpu.memory_space<vmem>> -> memref<1x80xi32, #tpu.memory_space<vmem>>
      %dma_start3A_70 = tpu.memref_squeeze %dma_start3A_69 : memref<1x80xi32, #tpu.memory_space<vmem>> -> memref<80xi32, #tpu.memory_space<vmem>>
      %dma_start3A_71 = arith.constant 0 : i32
      %dma_start3A_72 = arith.constant 0 : i32
      %dma_start3A_73 = tpu.memref_slice %arg12[%dma_start3A_71, %dma_start3A_72] : memref<10000x128xf32, #tpu.memory_space<vmem_shared>> -> memref<10000x128xf32, #tpu.memory_space<vmem_shared>>
      tpu.enqueue_indirect_dma source(%arg9 : memref<80x128xf32, #tpu.memory_space<vmem>>) target(%dma_start3A_73 : memref<10000x128xf32, #tpu.memory_space<vmem_shared>>) offsets(%dma_start3A_70 : memref<80xi32, #tpu.memory_space<vmem>>) semaphore(%arg15 : memref<!tpu.dma_semaphore, #tpu.memory_space<semaphore_mem>>) {add = true}
      %add3A_74 = arith.constant 2 : i32
      %add3A_75 = arith.addi %mul3A_45, %add3A_74 : i32
      %lt3A_76 = arith.constant 125 : i32
      %lt3A_77 = arith.cmpi slt, %add3A_75, %lt3A_76 : i32
      %convert_element_type3A_78 = arith.extui %lt3A_77 : i1 to i32
      %cond3A_79 = arith.constant 0 : i32
      %cond3A_80 = arith.cmpi ne, %convert_element_type3A_78, %cond3A_79 : i32
      scf.if %cond3A_80 {
        %dma_wait3A_88 = arith.constant 1 : i32
        %dma_wait3A_89 = arith.constant 0 : i32
        %dma_wait3A_90 = tpu.memref_slice %arg7[%dma_wait3A_88, %dma_wait3A_89] : memref<2x80xi32, #tpu.memory_space<vmem>> -> memref<1x80xi32, #tpu.memory_space<vmem>>
        %dma_wait3A_91 = tpu.memref_squeeze %dma_wait3A_90 : memref<1x80xi32, #tpu.memory_space<vmem>> -> memref<80xi32, #tpu.memory_space<vmem>>
        %dma_wait3A_92 = arith.constant 0 : i32
        %dma_wait3A_93 = arith.constant 0 : i32
        %dma_wait3A_94 = tpu.memref_slice %arg12[%dma_wait3A_92, %dma_wait3A_93] : memref<10000x128xf32, #tpu.memory_space<vmem_shared>> -> memref<10000x128xf32, #tpu.memory_space<vmem_shared>>
        tpu.wait_indirect_dma semaphore(%arg15 : memref<!tpu.dma_semaphore, #tpu.memory_space<semaphore_mem>>) src(%arg9 : memref<80x128xf32, #tpu.memory_space<vmem>>) dst(%dma_wait3A_94 : memref<10000x128xf32, #tpu.memory_space<vmem_shared>>)
        %add3A_95 = arith.constant 2 : i32
        %add3A_96 = arith.addi %mul3A_45, %add3A_95 : i32
        %mul3A_97 = arith.constant 125 : i32
        %mul3A_98 = arith.muli %add3A, %mul3A_97 : i32
        %add3A_99 = arith.addi %mul3A_98, %add3A_96 : i32
        "tpu.region"() ({
          %run_scoped3A = tpu.sem_alloc : memref<!tpu.dma_semaphore, #tpu.memory_space<semaphore_mem>>
          %dma_start3A_107 = arith.constant 0 : i32
          %dma_start3A_108 = arith.constant 0 : i32
          %dma_start3A_109 = tpu.memref_slice %arg4[%add3A_99, %dma_start3A_107, %dma_start3A_108] : memref<4000x2x80xi32, #tpu.memory_space<hbm>> -> memref<1x2x80xi32, #tpu.memory_space<hbm>>
          %dma_start3A_110 = tpu.memref_squeeze %dma_start3A_109 : memref<1x2x80xi32, #tpu.memory_space<hbm>> -> memref<2x80xi32, #tpu.memory_space<hbm>>
          %dma_start3A_111 = arith.constant 0 : i32
          %dma_start3A_112 = arith.constant 0 : i32
          %dma_start3A_113 = tpu.memref_slice %arg4[%add3A_99, %dma_start3A_111, %dma_start3A_112] : memref<4000x2x80xi32, #tpu.memory_space<hbm>> -> memref<1x2x80xi32, #tpu.memory_space<hbm>>
          %dma_start3A_114 = tpu.memref_squeeze %dma_start3A_113 : memref<1x2x80xi32, #tpu.memory_space<hbm>> -> memref<2x80xi32, #tpu.memory_space<hbm>>
          tpu.enqueue_dma source(%dma_start3A_114 : memref<2x80xi32, #tpu.memory_space<hbm>>) target(%arg7 : memref<2x80xi32, #tpu.memory_space<vmem>>) target_semaphore(%run_scoped3A : memref<!tpu.dma_semaphore, #tpu.memory_space<semaphore_mem>>)
          %dma_wait3A_115 = arith.constant 0 : i32
          %dma_wait3A_116 = arith.constant 0 : i32
          %dma_wait3A_117 = tpu.memref_slice %arg4[%add3A_99, %dma_wait3A_115, %dma_wait3A_116] : memref<4000x2x80xi32, #tpu.memory_space<hbm>> -> memref<1x2x80xi32, #tpu.memory_space<hbm>>
          %dma_wait3A_118 = tpu.memref_squeeze %dma_wait3A_117 : memref<1x2x80xi32, #tpu.memory_space<hbm>> -> memref<2x80xi32, #tpu.memory_space<hbm>>
          %dma_wait3A_119 = arith.constant 0 : i32
          %dma_wait3A_120 = arith.constant 0 : i32
          %dma_wait3A_121 = tpu.memref_slice %arg4[%add3A_99, %dma_wait3A_119, %dma_wait3A_120] : memref<4000x2x80xi32, #tpu.memory_space<hbm>> -> memref<1x2x80xi32, #tpu.memory_space<hbm>>
          %dma_wait3A_122 = tpu.memref_squeeze %dma_wait3A_121 : memref<1x2x80xi32, #tpu.memory_space<hbm>> -> memref<2x80xi32, #tpu.memory_space<hbm>>
          tpu.wait_dma2 semaphore(%run_scoped3A : memref<!tpu.dma_semaphore, #tpu.memory_space<semaphore_mem>>) src(%dma_wait3A_122 : memref<2x80xi32, #tpu.memory_space<hbm>>) dst(%arg7 : memref<2x80xi32, #tpu.memory_space<vmem>>)
          tpu.yield
        }) : () -> ()
        %dma_start3A_100 = arith.constant 0 : i32
        %dma_start3A_101 = arith.constant 0 : i32
        %dma_start3A_102 = tpu.memref_slice %arg7[%dma_start3A_100, %dma_start3A_101] : memref<2x80xi32, #tpu.memory_space<vmem>> -> memref<1x80xi32, #tpu.memory_space<vmem>>
        %dma_start3A_103 = tpu.memref_squeeze %dma_start3A_102 : memref<1x80xi32, #tpu.memory_space<vmem>> -> memref<80xi32, #tpu.memory_space<vmem>>
        %dma_start3A_104 = arith.constant 0 : i32
        %dma_start3A_105 = arith.constant 0 : i32
        %dma_start3A_106 = tpu.memref_slice %arg2[%dma_start3A_104, %dma_start3A_105] : memref<10000x128xf32, #tpu.memory_space<hbm>> -> memref<10000x128xf32, #tpu.memory_space<hbm>>
        tpu.enqueue_indirect_dma source(%dma_start3A_106 : memref<10000x128xf32, #tpu.memory_space<hbm>>) target(%arg9 : memref<80x128xf32, #tpu.memory_space<vmem>>) offsets(%dma_start3A_103 : memref<80xi32, #tpu.memory_space<vmem>>) semaphore(%arg13 : memref<!tpu.dma_semaphore, #tpu.memory_space<semaphore_mem>>)
      } else {
      }
      %add3A_81 = arith.constant 1 : i32
      %add3A_82 = arith.addi %mul3A_45, %add3A_81 : i32
      %lt3A_83 = arith.constant 125 : i32
      %lt3A_84 = arith.cmpi slt, %add3A_82, %lt3A_83 : i32
      %convert_element_type3A_85 = arith.extui %lt3A_84 : i1 to i32
      %cond3A_86 = arith.constant 0 : i32
      %cond3A_87 = arith.cmpi ne, %convert_element_type3A_85, %cond3A_86 : i32
      scf.if %cond3A_87 {
        %add3A_88 = arith.constant 1 : i32
        %add3A_89 = arith.addi %mul3A_45, %add3A_88 : i32
        %dma_wait3A_90 = arith.constant 0 : i32
        %dma_wait3A_91 = arith.constant 0 : i32
        %dma_wait3A_92 = tpu.memref_slice %arg8[%dma_wait3A_90, %dma_wait3A_91] : memref<2x80xi32, #tpu.memory_space<vmem>> -> memref<1x80xi32, #tpu.memory_space<vmem>>
        %dma_wait3A_93 = tpu.memref_squeeze %dma_wait3A_92 : memref<1x80xi32, #tpu.memory_space<vmem>> -> memref<80xi32, #tpu.memory_space<vmem>>
        %dma_wait3A_94 = arith.constant 0 : i32
        %dma_wait3A_95 = arith.constant 0 : i32
        %dma_wait3A_96 = tpu.memref_slice %arg2[%dma_wait3A_94, %dma_wait3A_95] : memref<10000x128xf32, #tpu.memory_space<hbm>> -> memref<10000x128xf32, #tpu.memory_space<hbm>>
        tpu.wait_indirect_dma semaphore(%arg14 : memref<!tpu.dma_semaphore, #tpu.memory_space<semaphore_mem>>) src(%dma_wait3A_96 : memref<10000x128xf32, #tpu.memory_space<hbm>>) dst(%arg10 : memref<80x128xf32, #tpu.memory_space<vmem>>)
        %mul3A_97 = arith.constant 10000 : i32
        %mul3A_98 = arith.muli %add3A, %mul3A_97 : i32
        %mul3A_99 = arith.constant 80 : i32
        %mul3A_100 = arith.muli %add3A_89, %mul3A_99 : i32
        %add3A_101 = arith.addi %mul3A_98, %mul3A_100 : i32
        "tpu.region"() ({
          %run_scoped3A = tpu.sem_alloc : memref<!tpu.dma_semaphore, #tpu.memory_space<semaphore_mem>>
          %dma_start3A_114 = arith.constant 0 : i32
          %dma_start3A_115 = tpu.memref_slice %arg3[%add3A_101, %dma_start3A_114] : memref<320000x128xf32, #tpu.memory_space<hbm>> -> memref<80x128xf32, #tpu.memory_space<hbm>>
          %dma_start3A_116 = arith.constant 0 : i32
          %dma_start3A_117 = tpu.memref_slice %arg3[%add3A_101, %dma_start3A_116] : memref<320000x128xf32, #tpu.memory_space<hbm>> -> memref<80x128xf32, #tpu.memory_space<hbm>>
          tpu.enqueue_dma source(%dma_start3A_117 : memref<80x128xf32, #tpu.memory_space<hbm>>) target(%arg11 : memref<80x128xf32, #tpu.memory_space<vmem>>) target_semaphore(%run_scoped3A : memref<!tpu.dma_semaphore, #tpu.memory_space<semaphore_mem>>)
          %dma_wait3A_118 = arith.constant 0 : i32
          %dma_wait3A_119 = tpu.memref_slice %arg3[%add3A_101, %dma_wait3A_118] : memref<320000x128xf32, #tpu.memory_space<hbm>> -> memref<80x128xf32, #tpu.memory_space<hbm>>
          %dma_wait3A_120 = arith.constant 0 : i32
          %dma_wait3A_121 = tpu.memref_slice %arg3[%add3A_101, %dma_wait3A_120] : memref<320000x128xf32, #tpu.memory_space<hbm>> -> memref<80x128xf32, #tpu.memory_space<hbm>>
          tpu.wait_dma2 semaphore(%run_scoped3A : memref<!tpu.dma_semaphore, #tpu.memory_space<semaphore_mem>>) src(%dma_wait3A_121 : memref<80x128xf32, #tpu.memory_space<hbm>>) dst(%arg11 : memref<80x128xf32, #tpu.memory_space<vmem>>)
          tpu.yield
        }) : () -> ()
        %scan3A_102 = arith.constant 0 : i32
        %scan3A_103 = arith.constant 20 : i32
        %scan3A_104 = arith.addi %scan3A_102, %scan3A_103 : i32
        %scan3A_105 = arith.constant 1 : i32
        scf.for %scan3A_114 = %scan3A_102 to %scan3A_104 step %scan3A_105  : i32 {
          %mul3A_115 = arith.constant 4 : i32
          %mul3A_116 = arith.muli %scan3A_114, %mul3A_115 : i32
          %add3A_117 = arith.constant 0 : i32
          %add3A_118 = arith.addi %add3A_117, %mul3A_116 : i32
          %add3A_119 = arith.constant 0 : i32
          %add3A_120 = arith.addi %add3A_118, %add3A_119 : i32
          %get3A = arith.index_cast %add3A_120 : i32 to index
          %get3A_121 = arith.constant 0 : index
          %get3A_122 = tpu.vector_load %arg10[%get3A, %get3A_121] {strides = array<i32>} : memref<80x128xf32, #tpu.memory_space<vmem>>, vector<1x16xf32>,
          %get3A_123 = vector.shape_cast %get3A_122 : vector<1x16xf32> to vector<16xf32>
          %get3A_124 = arith.index_cast %add3A_120 : i32 to index
          %get3A_125 = arith.constant 0 : index
          %get3A_126 = tpu.vector_load %arg11[%get3A_124, %get3A_125] {strides = array<i32>} : memref<80x128xf32, #tpu.memory_space<vmem>>, vector<1x16xf32>,
          %get3A_127 = vector.shape_cast %get3A_126 : vector<1x16xf32> to vector<16xf32>
          %mul3A_128 = arith.mulf %get3A_123, %get3A_127 : vector<16xf32>
          %swap3A = arith.index_cast %add3A_120 : i32 to index
          %swap3A_129 = arith.constant 0 : index
          %swap3A_130 = tpu.vector_load %arg10[%swap3A, %swap3A_129] {strides = array<i32>} : memref<80x128xf32, #tpu.memory_space<vmem>>, vector<1x16xf32>,
          %swap3A_131 = vector.shape_cast %swap3A_130 : vector<1x16xf32> to vector<16xf32>
          %swap3A_132 = vector.shape_cast %mul3A_128 : vector<16xf32> to vector<1x16xf32>
          tpu.vector_store %arg10[%swap3A, %swap3A_129], %swap3A_132 {strides = array<i32>} : memref<80x128xf32, #tpu.memory_space<vmem>>, vector<1x16xf32>,
          %get3A_133 = arith.index_cast %add3A_120 : i32 to index
          %get3A_134 = arith.constant 16 : index
          %get3A_135 = tpu.vector_load %arg10[%get3A_133, %get3A_134] {strides = array<i32>} : memref<80x128xf32, #tpu.memory_space<vmem>>, vector<1x16xf32>,
          %get3A_136 = vector.shape_cast %get3A_135 : vector<1x16xf32> to vector<16xf32>
          %get3A_137 = arith.index_cast %add3A_120 : i32 to index
          %get3A_138 = arith.constant 16 : index
          %get3A_139 = tpu.vector_load %arg11[%get3A_137, %get3A_138] {strides = array<i32>} : memref<80x128xf32, #tpu.memory_space<vmem>>, vector<1x16xf32>,
          %get3A_140 = vector.shape_cast %get3A_139 : vector<1x16xf32> to vector<16xf32>
          %mul3A_141 = arith.mulf %get3A_136, %get3A_140 : vector<16xf32>
          %swap3A_142 = arith.index_cast %add3A_120 : i32 to index
          %swap3A_143 = arith.constant 16 : index
          %swap3A_144 = tpu.vector_load %arg10[%swap3A_142, %swap3A_143] {strides = array<i32>} : memref<80x128xf32, #tpu.memory_space<vmem>>, vector<1x16xf32>,
          %swap3A_145 = vector.shape_cast %swap3A_144 : vector<1x16xf32> to vector<16xf32>
          %swap3A_146 = vector.shape_cast %mul3A_141 : vector<16xf32> to vector<1x16xf32>
          tpu.vector_store %arg10[%swap3A_142, %swap3A_143], %swap3A_146 {strides = array<i32>} : memref<80x128xf32, #tpu.memory_space<vmem>>, vector<1x16xf32>,
          %get3A_147 = arith.index_cast %add3A_120 : i32 to index
          %get3A_148 = arith.constant 32 : index
          %get3A_149 = tpu.vector_load %arg10[%get3A_147, %get3A_148] {strides = array<i32>} : memref<80x128xf32, #tpu.memory_space<vmem>>, vector<1x16xf32>,
          %get3A_150 = vector.shape_cast %get3A_149 : vector<1x16xf32> to vector<16xf32>
          %get3A_151 = arith.index_cast %add3A_120 : i32 to index
          %get3A_152 = arith.constant 32 : index
          %get3A_153 = tpu.vector_load %arg11[%get3A_151, %get3A_152] {strides = array<i32>} : memref<80x128xf32, #tpu.memory_space<vmem>>, vector<1x16xf32>,
          %get3A_154 = vector.shape_cast %get3A_153 : vector<1x16xf32> to vector<16xf32>
          %mul3A_155 = arith.mulf %get3A_150, %get3A_154 : vector<16xf32>
          %swap3A_156 = arith.index_cast %add3A_120 : i32 to index
          %swap3A_157 = arith.constant 32 : index
          %swap3A_158 = tpu.vector_load %arg10[%swap3A_156, %swap3A_157] {strides = array<i32>} : memref<80x128xf32, #tpu.memory_space<vmem>>, vector<1x16xf32>,
          %swap3A_159 = vector.shape_cast %swap3A_158 : vector<1x16xf32> to vector<16xf32>
          %swap3A_160 = vector.shape_cast %mul3A_155 : vector<16xf32> to vector<1x16xf32>
          tpu.vector_store %arg10[%swap3A_156, %swap3A_157], %swap3A_160 {strides = array<i32>} : memref<80x128xf32, #tpu.memory_space<vmem>>, vector<1x16xf32>,
          %get3A_161 = arith.index_cast %add3A_120 : i32 to index
          %get3A_162 = arith.constant 48 : index
          %get3A_163 = tpu.vector_load %arg10[%get3A_161, %get3A_162] {strides = array<i32>} : memref<80x128xf32, #tpu.memory_space<vmem>>, vector<1x16xf32>,
          %get3A_164 = vector.shape_cast %get3A_163 : vector<1x16xf32> to vector<16xf32>
          %get3A_165 = arith.index_cast %add3A_120 : i32 to index
          %get3A_166 = arith.constant 48 : index
          %get3A_167 = tpu.vector_load %arg11[%get3A_165, %get3A_166] {strides = array<i32>} : memref<80x128xf32, #tpu.memory_space<vmem>>, vector<1x16xf32>,
          %get3A_168 = vector.shape_cast %get3A_167 : vector<1x16xf32> to vector<16xf32>
          %mul3A_169 = arith.mulf %get3A_164, %get3A_168 : vector<16xf32>
          %swap3A_170 = arith.index_cast %add3A_120 : i32 to index
          %swap3A_171 = arith.constant 48 : index
          %swap3A_172 = tpu.vector_load %arg10[%swap3A_170, %swap3A_171] {strides = array<i32>} : memref<80x128xf32, #tpu.memory_space<vmem>>, vector<1x16xf32>,
          %swap3A_173 = vector.shape_cast %swap3A_172 : vector<1x16xf32> to vector<16xf32>
          %swap3A_174 = vector.shape_cast %mul3A_169 : vector<16xf32> to vector<1x16xf32>
          tpu.vector_store %arg10[%swap3A_170, %swap3A_171], %swap3A_174 {strides = array<i32>} : memref<80x128xf32, #tpu.memory_space<vmem>>, vector<1x16xf32>,
          %get3A_175 = arith.index_cast %add3A_120 : i32 to index
          %get3A_176 = arith.constant 64 : index
          %get3A_177 = tpu.vector_load %arg10[%get3A_175, %get3A_176] {strides = array<i32>} : memref<80x128xf32, #tpu.memory_space<vmem>>, vector<1x16xf32>,
          %get3A_178 = vector.shape_cast %get3A_177 : vector<1x16xf32> to vector<16xf32>
          %get3A_179 = arith.index_cast %add3A_120 : i32 to index
          %get3A_180 = arith.constant 64 : index
          %get3A_181 = tpu.vector_load %arg11[%get3A_179, %get3A_180] {strides = array<i32>} : memref<80x128xf32, #tpu.memory_space<vmem>>, vector<1x16xf32>,
          %get3A_182 = vector.shape_cast %get3A_181 : vector<1x16xf32> to vector<16xf32>
          %mul3A_183 = arith.mulf %get3A_178, %get3A_182 : vector<16xf32>
          %swap3A_184 = arith.index_cast %add3A_120 : i32 to index
          %swap3A_185 = arith.constant 64 : index
          %swap3A_186 = tpu.vector_load %arg10[%swap3A_184, %swap3A_185] {strides = array<i32>} : memref<80x128xf32, #tpu.memory_space<vmem>>, vector<1x16xf32>,
          %swap3A_187 = vector.shape_cast %swap3A_186 : vector<1x16xf32> to vector<16xf32>
          %swap3A_188 = vector.shape_cast %mul3A_183 : vector<16xf32> to vector<1x16xf32>
          tpu.vector_store %arg10[%swap3A_184, %swap3A_185], %swap3A_188 {strides = array<i32>} : memref<80x128xf32, #tpu.memory_space<vmem>>, vector<1x16xf32>,
          %get3A_189 = arith.index_cast %add3A_120 : i32 to index
          %get3A_190 = arith.constant 80 : index
          %get3A_191 = tpu.vector_load %arg10[%get3A_189, %get3A_190] {strides = array<i32>} : memref<80x128xf32, #tpu.memory_space<vmem>>, vector<1x16xf32>,
          %get3A_192 = vector.shape_cast %get3A_191 : vector<1x16xf32> to vector<16xf32>
          %get3A_193 = arith.index_cast %add3A_120 : i32 to index
          %get3A_194 = arith.constant 80 : index
          %get3A_195 = tpu.vector_load %arg11[%get3A_193, %get3A_194] {strides = array<i32>} : memref<80x128xf32, #tpu.memory_space<vmem>>, vector<1x16xf32>,
          %get3A_196 = vector.shape_cast %get3A_195 : vector<1x16xf32> to vector<16xf32>
          %mul3A_197 = arith.mulf %get3A_192, %get3A_196 : vector<16xf32>
          %swap3A_198 = arith.index_cast %add3A_120 : i32 to index
          %swap3A_199 = arith.constant 80 : index
          %swap3A_200 = tpu.vector_load %arg10[%swap3A_198, %swap3A_199] {strides = array<i32>} : memref<80x128xf32, #tpu.memory_space<vmem>>, vector<1x16xf32>,
          %swap3A_201 = vector.shape_cast %swap3A_200 : vector<1x16xf32> to vector<16xf32>
          %swap3A_202 = vector.shape_cast %mul3A_197 : vector<16xf32> to vector<1x16xf32>
          tpu.vector_store %arg10[%swap3A_198, %swap3A_199], %swap3A_202 {strides = array<i32>} : memref<80x128xf32, #tpu.memory_space<vmem>>, vector<1x16xf32>,
          %get3A_203 = arith.index_cast %add3A_120 : i32 to index
          %get3A_204 = arith.constant 96 : index
          %get3A_205 = tpu.vector_load %arg10[%get3A_203, %get3A_204] {strides = array<i32>} : memref<80x128xf32, #tpu.memory_space<vmem>>, vector<1x16xf32>,
          %get3A_206 = vector.shape_cast %get3A_205 : vector<1x16xf32> to vector<16xf32>
          %get3A_207 = arith.index_cast %add3A_120 : i32 to index
          %get3A_208 = arith.constant 96 : index
          %get3A_209 = tpu.vector_load %arg11[%get3A_207, %get3A_208] {strides = array<i32>} : memref<80x128xf32, #tpu.memory_space<vmem>>, vector<1x16xf32>,
          %get3A_210 = vector.shape_cast %get3A_209 : vector<1x16xf32> to vector<16xf32>
          %mul3A_211 = arith.mulf %get3A_206, %get3A_210 : vector<16xf32>
          %swap3A_212 = arith.index_cast %add3A_120 : i32 to index
          %swap3A_213 = arith.constant 96 : index
          %swap3A_214 = tpu.vector_load %arg10[%swap3A_212, %swap3A_213] {strides = array<i32>} : memref<80x128xf32, #tpu.memory_space<vmem>>, vector<1x16xf32>,
          %swap3A_215 = vector.shape_cast %swap3A_214 : vector<1x16xf32> to vector<16xf32>
          %swap3A_216 = vector.shape_cast %mul3A_211 : vector<16xf32> to vector<1x16xf32>
          tpu.vector_store %arg10[%swap3A_212, %swap3A_213], %swap3A_216 {strides = array<i32>} : memref<80x128xf32, #tpu.memory_space<vmem>>, vector<1x16xf32>,
          %get3A_217 = arith.index_cast %add3A_120 : i32 to index
          %get3A_218 = arith.constant 112 : index
          %get3A_219 = tpu.vector_load %arg10[%get3A_217, %get3A_218] {strides = array<i32>} : memref<80x128xf32, #tpu.memory_space<vmem>>, vector<1x16xf32>,
          %get3A_220 = vector.shape_cast %get3A_219 : vector<1x16xf32> to vector<16xf32>
          %get3A_221 = arith.index_cast %add3A_120 : i32 to index
          %get3A_222 = arith.constant 112 : index
          %get3A_223 = tpu.vector_load %arg11[%get3A_221, %get3A_222] {strides = array<i32>} : memref<80x128xf32, #tpu.memory_space<vmem>>, vector<1x16xf32>,
          %get3A_224 = vector.shape_cast %get3A_223 : vector<1x16xf32> to vector<16xf32>
          %mul3A_225 = arith.mulf %get3A_220, %get3A_224 : vector<16xf32>
          %swap3A_226 = arith.index_cast %add3A_120 : i32 to index
          %swap3A_227 = arith.constant 112 : index
          %swap3A_228 = tpu.vector_load %arg10[%swap3A_226, %swap3A_227] {strides = array<i32>} : memref<80x128xf32, #tpu.memory_space<vmem>>, vector<1x16xf32>,
          %swap3A_229 = vector.shape_cast %swap3A_228 : vector<1x16xf32> to vector<16xf32>
          %swap3A_230 = vector.shape_cast %mul3A_225 : vector<16xf32> to vector<1x16xf32>
          tpu.vector_store %arg10[%swap3A_226, %swap3A_227], %swap3A_230 {strides = array<i32>} : memref<80x128xf32, #tpu.memory_space<vmem>>, vector<1x16xf32>,
          %add3A_231 = arith.constant 1 : i32
          %add3A_232 = arith.addi %add3A_118, %add3A_231 : i32
          %get3A_233 = arith.index_cast %add3A_232 : i32 to index
          %get3A_234 = arith.constant 0 : index
          %get3A_235 = tpu.vector_load %arg10[%get3A_233, %get3A_234] {strides = array<i32>} : memref<80x128xf32, #tpu.memory_space<vmem>>, vector<1x16xf32>,
          %get3A_236 = vector.shape_cast %get3A_235 : vector<1x16xf32> to vector<16xf32>
          %get3A_237 = arith.index_cast %add3A_232 : i32 to index
          %get3A_238 = arith.constant 0 : index
          %get3A_239 = tpu.vector_load %arg11[%get3A_237, %get3A_238] {strides = array<i32>} : memref<80x128xf32, #tpu.memory_space<vmem>>, vector<1x16xf32>,
          %get3A_240 = vector.shape_cast %get3A_239 : vector<1x16xf32> to vector<16xf32>
          %mul3A_241 = arith.mulf %get3A_236, %get3A_240 : vector<16xf32>
          %swap3A_242 = arith.index_cast %add3A_232 : i32 to index
          %swap3A_243 = arith.constant 0 : index
          %swap3A_244 = tpu.vector_load %arg10[%swap3A_242, %swap3A_243] {strides = array<i32>} : memref<80x128xf32, #tpu.memory_space<vmem>>, vector<1x16xf32>,
          %swap3A_245 = vector.shape_cast %swap3A_244 : vector<1x16xf32> to vector<16xf32>
          %swap3A_246 = vector.shape_cast %mul3A_241 : vector<16xf32> to vector<1x16xf32>
          tpu.vector_store %arg10[%swap3A_242, %swap3A_243], %swap3A_246 {strides = array<i32>} : memref<80x128xf32, #tpu.memory_space<vmem>>, vector<1x16xf32>,
          %get3A_247 = arith.index_cast %add3A_232 : i32 to index
          %get3A_248 = arith.constant 16 : index
          %get3A_249 = tpu.vector_load %arg10[%get3A_247, %get3A_248] {strides = array<i32>} : memref<80x128xf32, #tpu.memory_space<vmem>>, vector<1x16xf32>,
          %get3A_250 = vector.shape_cast %get3A_249 : vector<1x16xf32> to vector<16xf32>
          %get3A_251 = arith.index_cast %add3A_232 : i32 to index
          %get3A_252 = arith.constant 16 : index
          %get3A_253 = tpu.vector_load %arg11[%get3A_251, %get3A_252] {strides = array<i32>} : memref<80x128xf32, #tpu.memory_space<vmem>>, vector<1x16xf32>,
          %get3A_254 = vector.shape_cast %get3A_253 : vector<1x16xf32> to vector<16xf32>
          %mul3A_255 = arith.mulf %get3A_250, %get3A_254 : vector<16xf32>
          %swap3A_256 = arith.index_cast %add3A_232 : i32 to index
          %swap3A_257 = arith.constant 16 : index
          %swap3A_258 = tpu.vector_load %arg10[%swap3A_256, %swap3A_257] {strides = array<i32>} : memref<80x128xf32, #tpu.memory_space<vmem>>, vector<1x16xf32>,
          %swap3A_259 = vector.shape_cast %swap3A_258 : vector<1x16xf32> to vector<16xf32>
          %swap3A_260 = vector.shape_cast %mul3A_255 : vector<16xf32> to vector<1x16xf32>
          tpu.vector_store %arg10[%swap3A_256, %swap3A_257], %swap3A_260 {strides = array<i32>} : memref<80x128xf32, #tpu.memory_space<vmem>>, vector<1x16xf32>,
          %get3A_261 = arith.index_cast %add3A_232 : i32 to index
          %get3A_262 = arith.constant 32 : index
          %get3A_263 = tpu.vector_load %arg10[%get3A_261, %get3A_262] {strides = array<i32>} : memref<80x128xf32, #tpu.memory_space<vmem>>, vector<1x16xf32>,
          %get3A_264 = vector.shape_cast %get3A_263 : vector<1x16xf32> to vector<16xf32>
          %get3A_265 = arith.index_cast %add3A_232 : i32 to index
          %get3A_266 = arith.constant 32 : index
          %get3A_267 = tpu.vector_load %arg11[%get3A_265, %get3A_266] {strides = array<i32>} : memref<80x128xf32, #tpu.memory_space<vmem>>, vector<1x16xf32>,
          %get3A_268 = vector.shape_cast %get3A_267 : vector<1x16xf32> to vector<16xf32>
          %mul3A_269 = arith.mulf %get3A_264, %get3A_268 : vector<16xf32>
          %swap3A_270 = arith.index_cast %add3A_232 : i32 to index
          %swap3A_271 = arith.constant 32 : index
          %swap3A_272 = tpu.vector_load %arg10[%swap3A_270, %swap3A_271] {strides = array<i32>} : memref<80x128xf32, #tpu.memory_space<vmem>>, vector<1x16xf32>,
          %swap3A_273 = vector.shape_cast %swap3A_272 : vector<1x16xf32> to vector<16xf32>
          %swap3A_274 = vector.shape_cast %mul3A_269 : vector<16xf32> to vector<1x16xf32>
          tpu.vector_store %arg10[%swap3A_270, %swap3A_271], %swap3A_274 {strides = array<i32>} : memref<80x128xf32, #tpu.memory_space<vmem>>, vector<1x16xf32>,
          %get3A_275 = arith.index_cast %add3A_232 : i32 to index
          %get3A_276 = arith.constant 48 : index
          %get3A_277 = tpu.vector_load %arg10[%get3A_275, %get3A_276] {strides = array<i32>} : memref<80x128xf32, #tpu.memory_space<vmem>>, vector<1x16xf32>,
          %get3A_278 = vector.shape_cast %get3A_277 : vector<1x16xf32> to vector<16xf32>
          %get3A_279 = arith.index_cast %add3A_232 : i32 to index
          %get3A_280 = arith.constant 48 : index
          %get3A_281 = tpu.vector_load %arg11[%get3A_279, %get3A_280] {strides = array<i32>} : memref<80x128xf32, #tpu.memory_space<vmem>>, vector<1x16xf32>,
          %get3A_282 = vector.shape_cast %get3A_281 : vector<1x16xf32> to vector<16xf32>
          %mul3A_283 = arith.mulf %get3A_278, %get3A_282 : vector<16xf32>
          %swap3A_284 = arith.index_cast %add3A_232 : i32 to index
          %swap3A_285 = arith.constant 48 : index
          %swap3A_286 = tpu.vector_load %arg10[%swap3A_284, %swap3A_285] {strides = array<i32>} : memref<80x128xf32, #tpu.memory_space<vmem>>, vector<1x16xf32>,
          %swap3A_287 = vector.shape_cast %swap3A_286 : vector<1x16xf32> to vector<16xf32>
          %swap3A_288 = vector.shape_cast %mul3A_283 : vector<16xf32> to vector<1x16xf32>
          tpu.vector_store %arg10[%swap3A_284, %swap3A_285], %swap3A_288 {strides = array<i32>} : memref<80x128xf32, #tpu.memory_space<vmem>>, vector<1x16xf32>,
          %get3A_289 = arith.index_cast %add3A_232 : i32 to index
          %get3A_290 = arith.constant 64 : index
          %get3A_291 = tpu.vector_load %arg10[%get3A_289, %get3A_290] {strides = array<i32>} : memref<80x128xf32, #tpu.memory_space<vmem>>, vector<1x16xf32>,
          %get3A_292 = vector.shape_cast %get3A_291 : vector<1x16xf32> to vector<16xf32>
          %get3A_293 = arith.index_cast %add3A_232 : i32 to index
          %get3A_294 = arith.constant 64 : index
          %get3A_295 = tpu.vector_load %arg11[%get3A_293, %get3A_294] {strides = array<i32>} : memref<80x128xf32, #tpu.memory_space<vmem>>, vector<1x16xf32>,
          %get3A_296 = vector.shape_cast %get3A_295 : vector<1x16xf32> to vector<16xf32>
          %mul3A_297 = arith.mulf %get3A_292, %get3A_296 : vector<16xf32>
          %swap3A_298 = arith.index_cast %add3A_232 : i32 to index
          %swap3A_299 = arith.constant 64 : index
          %swap3A_300 = tpu.vector_load %arg10[%swap3A_298, %swap3A_299] {strides = array<i32>} : memref<80x128xf32, #tpu.memory_space<vmem>>, vector<1x16xf32>,
          %swap3A_301 = vector.shape_cast %swap3A_300 : vector<1x16xf32> to vector<16xf32>
          %swap3A_302 = vector.shape_cast %mul3A_297 : vector<16xf32> to vector<1x16xf32>
          tpu.vector_store %arg10[%swap3A_298, %swap3A_299], %swap3A_302 {strides = array<i32>} : memref<80x128xf32, #tpu.memory_space<vmem>>, vector<1x16xf32>,
          %get3A_303 = arith.index_cast %add3A_232 : i32 to index
          %get3A_304 = arith.constant 80 : index
          %get3A_305 = tpu.vector_load %arg10[%get3A_303, %get3A_304] {strides = array<i32>} : memref<80x128xf32, #tpu.memory_space<vmem>>, vector<1x16xf32>,
          %get3A_306 = vector.shape_cast %get3A_305 : vector<1x16xf32> to vector<16xf32>
          %get3A_307 = arith.index_cast %add3A_232 : i32 to index
          %get3A_308 = arith.constant 80 : index
          %get3A_309 = tpu.vector_load %arg11[%get3A_307, %get3A_308] {strides = array<i32>} : memref<80x128xf32, #tpu.memory_space<vmem>>, vector<1x16xf32>,
          %get3A_310 = vector.shape_cast %get3A_309 : vector<1x16xf32> to vector<16xf32>
          %mul3A_311 = arith.mulf %get3A_306, %get3A_310 : vector<16xf32>
          %swap3A_312 = arith.index_cast %add3A_232 : i32 to index
          %swap3A_313 = arith.constant 80 : index
          %swap3A_314 = tpu.vector_load %arg10[%swap3A_312, %swap3A_313] {strides = array<i32>} : memref<80x128xf32, #tpu.memory_space<vmem>>, vector<1x16xf32>,
          %swap3A_315 = vector.shape_cast %swap3A_314 : vector<1x16xf32> to vector<16xf32>
          %swap3A_316 = vector.shape_cast %mul3A_311 : vector<16xf32> to vector<1x16xf32>
          tpu.vector_store %arg10[%swap3A_312, %swap3A_313], %swap3A_316 {strides = array<i32>} : memref<80x128xf32, #tpu.memory_space<vmem>>, vector<1x16xf32>,
          %get3A_317 = arith.index_cast %add3A_232 : i32 to index
          %get3A_318 = arith.constant 96 : index
          %get3A_319 = tpu.vector_load %arg10[%get3A_317, %get3A_318] {strides = array<i32>} : memref<80x128xf32, #tpu.memory_space<vmem>>, vector<1x16xf32>,
          %get3A_320 = vector.shape_cast %get3A_319 : vector<1x16xf32> to vector<16xf32>
          %get3A_321 = arith.index_cast %add3A_232 : i32 to index
          %get3A_322 = arith.constant 96 : index
          %get3A_323 = tpu.vector_load %arg11[%get3A_321, %get3A_322] {strides = array<i32>} : memref<80x128xf32, #tpu.memory_space<vmem>>, vector<1x16xf32>,
          %get3A_324 = vector.shape_cast %get3A_323 : vector<1x16xf32> to vector<16xf32>
          %mul3A_325 = arith.mulf %get3A_320, %get3A_324 : vector<16xf32>
          %swap3A_326 = arith.index_cast %add3A_232 : i32 to index
          %swap3A_327 = arith.constant 96 : index
          %swap3A_328 = tpu.vector_load %arg10[%swap3A_326, %swap3A_327] {strides = array<i32>} : memref<80x128xf32, #tpu.memory_space<vmem>>, vector<1x16xf32>,
          %swap3A_329 = vector.shape_cast %swap3A_328 : vector<1x16xf32> to vector<16xf32>
          %swap3A_330 = vector.shape_cast %mul3A_325 : vector<16xf32> to vector<1x16xf32>
          tpu.vector_store %arg10[%swap3A_326, %swap3A_327], %swap3A_330 {strides = array<i32>} : memref<80x128xf32, #tpu.memory_space<vmem>>, vector<1x16xf32>,
          %get3A_331 = arith.index_cast %add3A_232 : i32 to index
          %get3A_332 = arith.constant 112 : index
          %get3A_333 = tpu.vector_load %arg10[%get3A_331, %get3A_332] {strides = array<i32>} : memref<80x128xf32, #tpu.memory_space<vmem>>, vector<1x16xf32>,
          %get3A_334 = vector.shape_cast %get3A_333 : vector<1x16xf32> to vector<16xf32>
          %get3A_335 = arith.index_cast %add3A_232 : i32 to index
          %get3A_336 = arith.constant 112 : index
          %get3A_337 = tpu.vector_load %arg11[%get3A_335, %get3A_336] {strides = array<i32>} : memref<80x128xf32, #tpu.memory_space<vmem>>, vector<1x16xf32>,
          %get3A_338 = vector.shape_cast %get3A_337 : vector<1x16xf32> to vector<16xf32>
          %mul3A_339 = arith.mulf %get3A_334, %get3A_338 : vector<16xf32>
          %swap3A_340 = arith.index_cast %add3A_232 : i32 to index
          %swap3A_341 = arith.constant 112 : index
          %swap3A_342 = tpu.vector_load %arg10[%swap3A_340, %swap3A_341] {strides = array<i32>} : memref<80x128xf32, #tpu.memory_space<vmem>>, vector<1x16xf32>,
          %swap3A_343 = vector.shape_cast %swap3A_342 : vector<1x16xf32> to vector<16xf32>
          %swap3A_344 = vector.shape_cast %mul3A_339 : vector<16xf32> to vector<1x16xf32>
          tpu.vector_store %arg10[%swap3A_340, %swap3A_341], %swap3A_344 {strides = array<i32>} : memref<80x128xf32, #tpu.memory_space<vmem>>, vector<1x16xf32>,
          %add3A_345 = arith.constant 2 : i32
          %add3A_346 = arith.addi %add3A_118, %add3A_345 : i32
          %get3A_347 = arith.index_cast %add3A_346 : i32 to index
          %get3A_348 = arith.constant 0 : index
          %get3A_349 = tpu.vector_load %arg10[%get3A_347, %get3A_348] {strides = array<i32>} : memref<80x128xf32, #tpu.memory_space<vmem>>, vector<1x16xf32>,
          %get3A_350 = vector.shape_cast %get3A_349 : vector<1x16xf32> to vector<16xf32>
          %get3A_351 = arith.index_cast %add3A_346 : i32 to index
          %get3A_352 = arith.constant 0 : index
          %get3A_353 = tpu.vector_load %arg11[%get3A_351, %get3A_352] {strides = array<i32>} : memref<80x128xf32, #tpu.memory_space<vmem>>, vector<1x16xf32>,
          %get3A_354 = vector.shape_cast %get3A_353 : vector<1x16xf32> to vector<16xf32>
          %mul3A_355 = arith.mulf %get3A_350, %get3A_354 : vector<16xf32>
          %swap3A_356 = arith.index_cast %add3A_346 : i32 to index
          %swap3A_357 = arith.constant 0 : index
          %swap3A_358 = tpu.vector_load %arg10[%swap3A_356, %swap3A_357] {strides = array<i32>} : memref<80x128xf32, #tpu.memory_space<vmem>>, vector<1x16xf32>,
          %swap3A_359 = vector.shape_cast %swap3A_358 : vector<1x16xf32> to vector<16xf32>
          %swap3A_360 = vector.shape_cast %mul3A_355 : vector<16xf32> to vector<1x16xf32>
          tpu.vector_store %arg10[%swap3A_356, %swap3A_357], %swap3A_360 {strides = array<i32>} : memref<80x128xf32, #tpu.memory_space<vmem>>, vector<1x16xf32>,
          %get3A_361 = arith.index_cast %add3A_346 : i32 to index
          %get3A_362 = arith.constant 16 : index
          %get3A_363 = tpu.vector_load %arg10[%get3A_361, %get3A_362] {strides = array<i32>} : memref<80x128xf32, #tpu.memory_space<vmem>>, vector<1x16xf32>,
          %get3A_364 = vector.shape_cast %get3A_363 : vector<1x16xf32> to vector<16xf32>
          %get3A_365 = arith.index_cast %add3A_346 : i32 to index
          %get3A_366 = arith.constant 16 : index
          %get3A_367 = tpu.vector_load %arg11[%get3A_365, %get3A_366] {strides = array<i32>} : memref<80x128xf32, #tpu.memory_space<vmem>>, vector<1x16xf32>,
          %get3A_368 = vector.shape_cast %get3A_367 : vector<1x16xf32> to vector<16xf32>
          %mul3A_369 = arith.mulf %get3A_364, %get3A_368 : vector<16xf32>
          %swap3A_370 = arith.index_cast %add3A_346 : i32 to index
          %swap3A_371 = arith.constant 16 : index
          %swap3A_372 = tpu.vector_load %arg10[%swap3A_370, %swap3A_371] {strides = array<i32>} : memref<80x128xf32, #tpu.memory_space<vmem>>, vector<1x16xf32>,
          %swap3A_373 = vector.shape_cast %swap3A_372 : vector<1x16xf32> to vector<16xf32>
          %swap3A_374 = vector.shape_cast %mul3A_369 : vector<16xf32> to vector<1x16xf32>
          tpu.vector_store %arg10[%swap3A_370, %swap3A_371], %swap3A_374 {strides = array<i32>} : memref<80x128xf32, #tpu.memory_space<vmem>>, vector<1x16xf32>,
          %get3A_375 = arith.index_cast %add3A_346 : i32 to index
          %get3A_376 = arith.constant 32 : index
          %get3A_377 = tpu.vector_load %arg10[%get3A_375, %get3A_376] {strides = array<i32>} : memref<80x128xf32, #tpu.memory_space<vmem>>, vector<1x16xf32>,
          %get3A_378 = vector.shape_cast %get3A_377 : vector<1x16xf32> to vector<16xf32>
          %get3A_379 = arith.index_cast %add3A_346 : i32 to index
          %get3A_380 = arith.constant 32 : index
          %get3A_381 = tpu.vector_load %arg11[%get3A_379, %get3A_380] {strides = array<i32>} : memref<80x128xf32, #tpu.memory_space<vmem>>, vector<1x16xf32>,
          %get3A_382 = vector.shape_cast %get3A_381 : vector<1x16xf32> to vector<16xf32>
          %mul3A_383 = arith.mulf %get3A_378, %get3A_382 : vector<16xf32>
          %swap3A_384 = arith.index_cast %add3A_346 : i32 to index
          %swap3A_385 = arith.constant 32 : index
          %swap3A_386 = tpu.vector_load %arg10[%swap3A_384, %swap3A_385] {strides = array<i32>} : memref<80x128xf32, #tpu.memory_space<vmem>>, vector<1x16xf32>,
          %swap3A_387 = vector.shape_cast %swap3A_386 : vector<1x16xf32> to vector<16xf32>
          %swap3A_388 = vector.shape_cast %mul3A_383 : vector<16xf32> to vector<1x16xf32>
          tpu.vector_store %arg10[%swap3A_384, %swap3A_385], %swap3A_388 {strides = array<i32>} : memref<80x128xf32, #tpu.memory_space<vmem>>, vector<1x16xf32>,
          %get3A_389 = arith.index_cast %add3A_346 : i32 to index
          %get3A_390 = arith.constant 48 : index
          %get3A_391 = tpu.vector_load %arg10[%get3A_389, %get3A_390] {strides = array<i32>} : memref<80x128xf32, #tpu.memory_space<vmem>>, vector<1x16xf32>,
          %get3A_392 = vector.shape_cast %get3A_391 : vector<1x16xf32> to vector<16xf32>
          %get3A_393 = arith.index_cast %add3A_346 : i32 to index
          %get3A_394 = arith.constant 48 : index
          %get3A_395 = tpu.vector_load %arg11[%get3A_393, %get3A_394] {strides = array<i32>} : memref<80x128xf32, #tpu.memory_space<vmem>>, vector<1x16xf32>,
          %get3A_396 = vector.shape_cast %get3A_395 : vector<1x16xf32> to vector<16xf32>
          %mul3A_397 = arith.mulf %get3A_392, %get3A_396 : vector<16xf32>
          %swap3A_398 = arith.index_cast %add3A_346 : i32 to index
          %swap3A_399 = arith.constant 48 : index
          %swap3A_400 = tpu.vector_load %arg10[%swap3A_398, %swap3A_399] {strides = array<i32>} : memref<80x128xf32, #tpu.memory_space<vmem>>, vector<1x16xf32>,
          %swap3A_401 = vector.shape_cast %swap3A_400 : vector<1x16xf32> to vector<16xf32>
          %swap3A_402 = vector.shape_cast %mul3A_397 : vector<16xf32> to vector<1x16xf32>
          tpu.vector_store %arg10[%swap3A_398, %swap3A_399], %swap3A_402 {strides = array<i32>} : memref<80x128xf32, #tpu.memory_space<vmem>>, vector<1x16xf32>,
          %get3A_403 = arith.index_cast %add3A_346 : i32 to index
          %get3A_404 = arith.constant 64 : index
          %get3A_405 = tpu.vector_load %arg10[%get3A_403, %get3A_404] {strides = array<i32>} : memref<80x128xf32, #tpu.memory_space<vmem>>, vector<1x16xf32>,
          %get3A_406 = vector.shape_cast %get3A_405 : vector<1x16xf32> to vector<16xf32>
          %get3A_407 = arith.index_cast %add3A_346 : i32 to index
          %get3A_408 = arith.constant 64 : index
          %get3A_409 = tpu.vector_load %arg11[%get3A_407, %get3A_408] {strides = array<i32>} : memref<80x128xf32, #tpu.memory_space<vmem>>, vector<1x16xf32>,
          %get3A_410 = vector.shape_cast %get3A_409 : vector<1x16xf32> to vector<16xf32>
          %mul3A_411 = arith.mulf %get3A_406, %get3A_410 : vector<16xf32>
          %swap3A_412 = arith.index_cast %add3A_346 : i32 to index
          %swap3A_413 = arith.constant 64 : index
          %swap3A_414 = tpu.vector_load %arg10[%swap3A_412, %swap3A_413] {strides = array<i32>} : memref<80x128xf32, #tpu.memory_space<vmem>>, vector<1x16xf32>,
          %swap3A_415 = vector.shape_cast %swap3A_414 : vector<1x16xf32> to vector<16xf32>
          %swap3A_416 = vector.shape_cast %mul3A_411 : vector<16xf32> to vector<1x16xf32>
          tpu.vector_store %arg10[%swap3A_412, %swap3A_413], %swap3A_416 {strides = array<i32>} : memref<80x128xf32, #tpu.memory_space<vmem>>, vector<1x16xf32>,
          %get3A_417 = arith.index_cast %add3A_346 : i32 to index
          %get3A_418 = arith.constant 80 : index
          %get3A_419 = tpu.vector_load %arg10[%get3A_417, %get3A_418] {strides = array<i32>} : memref<80x128xf32, #tpu.memory_space<vmem>>, vector<1x16xf32>,
          %get3A_420 = vector.shape_cast %get3A_419 : vector<1x16xf32> to vector<16xf32>
          %get3A_421 = arith.index_cast %add3A_346 : i32 to index
          %get3A_422 = arith.constant 80 : index
          %get3A_423 = tpu.vector_load %arg11[%get3A_421, %get3A_422] {strides = array<i32>} : memref<80x128xf32, #tpu.memory_space<vmem>>, vector<1x16xf32>,
          %get3A_424 = vector.shape_cast %get3A_423 : vector<1x16xf32> to vector<16xf32>
          %mul3A_425 = arith.mulf %get3A_420, %get3A_424 : vector<16xf32>
          %swap3A_426 = arith.index_cast %add3A_346 : i32 to index
          %swap3A_427 = arith.constant 80 : index
          %swap3A_428 = tpu.vector_load %arg10[%swap3A_426, %swap3A_427] {strides = array<i32>} : memref<80x128xf32, #tpu.memory_space<vmem>>, vector<1x16xf32>,
          %swap3A_429 = vector.shape_cast %swap3A_428 : vector<1x16xf32> to vector<16xf32>
          %swap3A_430 = vector.shape_cast %mul3A_425 : vector<16xf32> to vector<1x16xf32>
          tpu.vector_store %arg10[%swap3A_426, %swap3A_427], %swap3A_430 {strides = array<i32>} : memref<80x128xf32, #tpu.memory_space<vmem>>, vector<1x16xf32>,
          %get3A_431 = arith.index_cast %add3A_346 : i32 to index
          %get3A_432 = arith.constant 96 : index
          %get3A_433 = tpu.vector_load %arg10[%get3A_431, %get3A_432] {strides = array<i32>} : memref<80x128xf32, #tpu.memory_space<vmem>>, vector<1x16xf32>,
          %get3A_434 = vector.shape_cast %get3A_433 : vector<1x16xf32> to vector<16xf32>
          %get3A_435 = arith.index_cast %add3A_346 : i32 to index
          %get3A_436 = arith.constant 96 : index
          %get3A_437 = tpu.vector_load %arg11[%get3A_435, %get3A_436] {strides = array<i32>} : memref<80x128xf32, #tpu.memory_space<vmem>>, vector<1x16xf32>,
          %get3A_438 = vector.shape_cast %get3A_437 : vector<1x16xf32> to vector<16xf32>
          %mul3A_439 = arith.mulf %get3A_434, %get3A_438 : vector<16xf32>
          %swap3A_440 = arith.index_cast %add3A_346 : i32 to index
          %swap3A_441 = arith.constant 96 : index
          %swap3A_442 = tpu.vector_load %arg10[%swap3A_440, %swap3A_441] {strides = array<i32>} : memref<80x128xf32, #tpu.memory_space<vmem>>, vector<1x16xf32>,
          %swap3A_443 = vector.shape_cast %swap3A_442 : vector<1x16xf32> to vector<16xf32>
          %swap3A_444 = vector.shape_cast %mul3A_439 : vector<16xf32> to vector<1x16xf32>
          tpu.vector_store %arg10[%swap3A_440, %swap3A_441], %swap3A_444 {strides = array<i32>} : memref<80x128xf32, #tpu.memory_space<vmem>>, vector<1x16xf32>,
          %get3A_445 = arith.index_cast %add3A_346 : i32 to index
          %get3A_446 = arith.constant 112 : index
          %get3A_447 = tpu.vector_load %arg10[%get3A_445, %get3A_446] {strides = array<i32>} : memref<80x128xf32, #tpu.memory_space<vmem>>, vector<1x16xf32>,
          %get3A_448 = vector.shape_cast %get3A_447 : vector<1x16xf32> to vector<16xf32>
          %get3A_449 = arith.index_cast %add3A_346 : i32 to index
          %get3A_450 = arith.constant 112 : index
          %get3A_451 = tpu.vector_load %arg11[%get3A_449, %get3A_450] {strides = array<i32>} : memref<80x128xf32, #tpu.memory_space<vmem>>, vector<1x16xf32>,
          %get3A_452 = vector.shape_cast %get3A_451 : vector<1x16xf32> to vector<16xf32>
          %mul3A_453 = arith.mulf %get3A_448, %get3A_452 : vector<16xf32>
          %swap3A_454 = arith.index_cast %add3A_346 : i32 to index
          %swap3A_455 = arith.constant 112 : index
          %swap3A_456 = tpu.vector_load %arg10[%swap3A_454, %swap3A_455] {strides = array<i32>} : memref<80x128xf32, #tpu.memory_space<vmem>>, vector<1x16xf32>,
          %swap3A_457 = vector.shape_cast %swap3A_456 : vector<1x16xf32> to vector<16xf32>
          %swap3A_458 = vector.shape_cast %mul3A_453 : vector<16xf32> to vector<1x16xf32>
          tpu.vector_store %arg10[%swap3A_454, %swap3A_455], %swap3A_458 {strides = array<i32>} : memref<80x128xf32, #tpu.memory_space<vmem>>, vector<1x16xf32>,
          %add3A_459 = arith.constant 3 : i32
          %add3A_460 = arith.addi %add3A_118, %add3A_459 : i32
          %get3A_461 = arith.index_cast %add3A_460 : i32 to index
          %get3A_462 = arith.constant 0 : index
          %get3A_463 = tpu.vector_load %arg10[%get3A_461, %get3A_462] {strides = array<i32>} : memref<80x128xf32, #tpu.memory_space<vmem>>, vector<1x16xf32>,
          %get3A_464 = vector.shape_cast %get3A_463 : vector<1x16xf32> to vector<16xf32>
          %get3A_465 = arith.index_cast %add3A_460 : i32 to index
          %get3A_466 = arith.constant 0 : index
          %get3A_467 = tpu.vector_load %arg11[%get3A_465, %get3A_466] {strides = array<i32>} : memref<80x128xf32, #tpu.memory_space<vmem>>, vector<1x16xf32>,
          %get3A_468 = vector.shape_cast %get3A_467 : vector<1x16xf32> to vector<16xf32>
          %mul3A_469 = arith.mulf %get3A_464, %get3A_468 : vector<16xf32>
          %swap3A_470 = arith.index_cast %add3A_460 : i32 to index
          %swap3A_471 = arith.constant 0 : index
          %swap3A_472 = tpu.vector_load %arg10[%swap3A_470, %swap3A_471] {strides = array<i32>} : memref<80x128xf32, #tpu.memory_space<vmem>>, vector<1x16xf32>,
          %swap3A_473 = vector.shape_cast %swap3A_472 : vector<1x16xf32> to vector<16xf32>
          %swap3A_474 = vector.shape_cast %mul3A_469 : vector<16xf32> to vector<1x16xf32>
          tpu.vector_store %arg10[%swap3A_470, %swap3A_471], %swap3A_474 {strides = array<i32>} : memref<80x128xf32, #tpu.memory_space<vmem>>, vector<1x16xf32>,
          %get3A_475 = arith.index_cast %add3A_460 : i32 to index
          %get3A_476 = arith.constant 16 : index
          %get3A_477 = tpu.vector_load %arg10[%get3A_475, %get3A_476] {strides = array<i32>} : memref<80x128xf32, #tpu.memory_space<vmem>>, vector<1x16xf32>,
          %get3A_478 = vector.shape_cast %get3A_477 : vector<1x16xf32> to vector<16xf32>
          %get3A_479 = arith.index_cast %add3A_460 : i32 to index
          %get3A_480 = arith.constant 16 : index
          %get3A_481 = tpu.vector_load %arg11[%get3A_479, %get3A_480] {strides = array<i32>} : memref<80x128xf32, #tpu.memory_space<vmem>>, vector<1x16xf32>,
          %get3A_482 = vector.shape_cast %get3A_481 : vector<1x16xf32> to vector<16xf32>
          %mul3A_483 = arith.mulf %get3A_478, %get3A_482 : vector<16xf32>
          %swap3A_484 = arith.index_cast %add3A_460 : i32 to index
          %swap3A_485 = arith.constant 16 : index
          %swap3A_486 = tpu.vector_load %arg10[%swap3A_484, %swap3A_485] {strides = array<i32>} : memref<80x128xf32, #tpu.memory_space<vmem>>, vector<1x16xf32>,
          %swap3A_487 = vector.shape_cast %swap3A_486 : vector<1x16xf32> to vector<16xf32>
          %swap3A_488 = vector.shape_cast %mul3A_483 : vector<16xf32> to vector<1x16xf32>
          tpu.vector_store %arg10[%swap3A_484, %swap3A_485], %swap3A_488 {strides = array<i32>} : memref<80x128xf32, #tpu.memory_space<vmem>>, vector<1x16xf32>,
          %get3A_489 = arith.index_cast %add3A_460 : i32 to index
          %get3A_490 = arith.constant 32 : index
          %get3A_491 = tpu.vector_load %arg10[%get3A_489, %get3A_490] {strides = array<i32>} : memref<80x128xf32, #tpu.memory_space<vmem>>, vector<1x16xf32>,
          %get3A_492 = vector.shape_cast %get3A_491 : vector<1x16xf32> to vector<16xf32>
          %get3A_493 = arith.index_cast %add3A_460 : i32 to index
          %get3A_494 = arith.constant 32 : index
          %get3A_495 = tpu.vector_load %arg11[%get3A_493, %get3A_494] {strides = array<i32>} : memref<80x128xf32, #tpu.memory_space<vmem>>, vector<1x16xf32>,
          %get3A_496 = vector.shape_cast %get3A_495 : vector<1x16xf32> to vector<16xf32>
          %mul3A_497 = arith.mulf %get3A_492, %get3A_496 : vector<16xf32>
          %swap3A_498 = arith.index_cast %add3A_460 : i32 to index
          %swap3A_499 = arith.constant 32 : index
          %swap3A_500 = tpu.vector_load %arg10[%swap3A_498, %swap3A_499] {strides = array<i32>} : memref<80x128xf32, #tpu.memory_space<vmem>>, vector<1x16xf32>,
          %swap3A_501 = vector.shape_cast %swap3A_500 : vector<1x16xf32> to vector<16xf32>
          %swap3A_502 = vector.shape_cast %mul3A_497 : vector<16xf32> to vector<1x16xf32>
          tpu.vector_store %arg10[%swap3A_498, %swap3A_499], %swap3A_502 {strides = array<i32>} : memref<80x128xf32, #tpu.memory_space<vmem>>, vector<1x16xf32>,
          %get3A_503 = arith.index_cast %add3A_460 : i32 to index
          %get3A_504 = arith.constant 48 : index
          %get3A_505 = tpu.vector_load %arg10[%get3A_503, %get3A_504] {strides = array<i32>} : memref<80x128xf32, #tpu.memory_space<vmem>>, vector<1x16xf32>,
          %get3A_506 = vector.shape_cast %get3A_505 : vector<1x16xf32> to vector<16xf32>
          %get3A_507 = arith.index_cast %add3A_460 : i32 to index
          %get3A_508 = arith.constant 48 : index
          %get3A_509 = tpu.vector_load %arg11[%get3A_507, %get3A_508] {strides = array<i32>} : memref<80x128xf32, #tpu.memory_space<vmem>>, vector<1x16xf32>,
          %get3A_510 = vector.shape_cast %get3A_509 : vector<1x16xf32> to vector<16xf32>
          %mul3A_511 = arith.mulf %get3A_506, %get3A_510 : vector<16xf32>
          %swap3A_512 = arith.index_cast %add3A_460 : i32 to index
          %swap3A_513 = arith.constant 48 : index
          %swap3A_514 = tpu.vector_load %arg10[%swap3A_512, %swap3A_513] {strides = array<i32>} : memref<80x128xf32, #tpu.memory_space<vmem>>, vector<1x16xf32>,
          %swap3A_515 = vector.shape_cast %swap3A_514 : vector<1x16xf32> to vector<16xf32>
          %swap3A_516 = vector.shape_cast %mul3A_511 : vector<16xf32> to vector<1x16xf32>
          tpu.vector_store %arg10[%swap3A_512, %swap3A_513], %swap3A_516 {strides = array<i32>} : memref<80x128xf32, #tpu.memory_space<vmem>>, vector<1x16xf32>,
          %get3A_517 = arith.index_cast %add3A_460 : i32 to index
          %get3A_518 = arith.constant 64 : index
          %get3A_519 = tpu.vector_load %arg10[%get3A_517, %get3A_518] {strides = array<i32>} : memref<80x128xf32, #tpu.memory_space<vmem>>, vector<1x16xf32>,
          %get3A_520 = vector.shape_cast %get3A_519 : vector<1x16xf32> to vector<16xf32>
          %get3A_521 = arith.index_cast %add3A_460 : i32 to index
          %get3A_522 = arith.constant 64 : index
          %get3A_523 = tpu.vector_load %arg11[%get3A_521, %get3A_522] {strides = array<i32>} : memref<80x128xf32, #tpu.memory_space<vmem>>, vector<1x16xf32>,
          %get3A_524 = vector.shape_cast %get3A_523 : vector<1x16xf32> to vector<16xf32>
          %mul3A_525 = arith.mulf %get3A_520, %get3A_524 : vector<16xf32>
          %swap3A_526 = arith.index_cast %add3A_460 : i32 to index
          %swap3A_527 = arith.constant 64 : index
          %swap3A_528 = tpu.vector_load %arg10[%swap3A_526, %swap3A_527] {strides = array<i32>} : memref<80x128xf32, #tpu.memory_space<vmem>>, vector<1x16xf32>,
          %swap3A_529 = vector.shape_cast %swap3A_528 : vector<1x16xf32> to vector<16xf32>
          %swap3A_530 = vector.shape_cast %mul3A_525 : vector<16xf32> to vector<1x16xf32>
          tpu.vector_store %arg10[%swap3A_526, %swap3A_527], %swap3A_530 {strides = array<i32>} : memref<80x128xf32, #tpu.memory_space<vmem>>, vector<1x16xf32>,
          %get3A_531 = arith.index_cast %add3A_460 : i32 to index
          %get3A_532 = arith.constant 80 : index
          %get3A_533 = tpu.vector_load %arg10[%get3A_531, %get3A_532] {strides = array<i32>} : memref<80x128xf32, #tpu.memory_space<vmem>>, vector<1x16xf32>,
          %get3A_534 = vector.shape_cast %get3A_533 : vector<1x16xf32> to vector<16xf32>
          %get3A_535 = arith.index_cast %add3A_460 : i32 to index
          %get3A_536 = arith.constant 80 : index
          %get3A_537 = tpu.vector_load %arg11[%get3A_535, %get3A_536] {strides = array<i32>} : memref<80x128xf32, #tpu.memory_space<vmem>>, vector<1x16xf32>,
          %get3A_538 = vector.shape_cast %get3A_537 : vector<1x16xf32> to vector<16xf32>
          %mul3A_539 = arith.mulf %get3A_534, %get3A_538 : vector<16xf32>
          %swap3A_540 = arith.index_cast %add3A_460 : i32 to index
          %swap3A_541 = arith.constant 80 : index
          %swap3A_542 = tpu.vector_load %arg10[%swap3A_540, %swap3A_541] {strides = array<i32>} : memref<80x128xf32, #tpu.memory_space<vmem>>, vector<1x16xf32>,
          %swap3A_543 = vector.shape_cast %swap3A_542 : vector<1x16xf32> to vector<16xf32>
          %swap3A_544 = vector.shape_cast %mul3A_539 : vector<16xf32> to vector<1x16xf32>
          tpu.vector_store %arg10[%swap3A_540, %swap3A_541], %swap3A_544 {strides = array<i32>} : memref<80x128xf32, #tpu.memory_space<vmem>>, vector<1x16xf32>,
          %get3A_545 = arith.index_cast %add3A_460 : i32 to index
          %get3A_546 = arith.constant 96 : index
          %get3A_547 = tpu.vector_load %arg10[%get3A_545, %get3A_546] {strides = array<i32>} : memref<80x128xf32, #tpu.memory_space<vmem>>, vector<1x16xf32>,
          %get3A_548 = vector.shape_cast %get3A_547 : vector<1x16xf32> to vector<16xf32>
          %get3A_549 = arith.index_cast %add3A_460 : i32 to index
          %get3A_550 = arith.constant 96 : index
          %get3A_551 = tpu.vector_load %arg11[%get3A_549, %get3A_550] {strides = array<i32>} : memref<80x128xf32, #tpu.memory_space<vmem>>, vector<1x16xf32>,
          %get3A_552 = vector.shape_cast %get3A_551 : vector<1x16xf32> to vector<16xf32>
          %mul3A_553 = arith.mulf %get3A_548, %get3A_552 : vector<16xf32>
          %swap3A_554 = arith.index_cast %add3A_460 : i32 to index
          %swap3A_555 = arith.constant 96 : index
          %swap3A_556 = tpu.vector_load %arg10[%swap3A_554, %swap3A_555] {strides = array<i32>} : memref<80x128xf32, #tpu.memory_space<vmem>>, vector<1x16xf32>,
          %swap3A_557 = vector.shape_cast %swap3A_556 : vector<1x16xf32> to vector<16xf32>
          %swap3A_558 = vector.shape_cast %mul3A_553 : vector<16xf32> to vector<1x16xf32>
          tpu.vector_store %arg10[%swap3A_554, %swap3A_555], %swap3A_558 {strides = array<i32>} : memref<80x128xf32, #tpu.memory_space<vmem>>, vector<1x16xf32>,
          %get3A_559 = arith.index_cast %add3A_460 : i32 to index
          %get3A_560 = arith.constant 112 : index
          %get3A_561 = tpu.vector_load %arg10[%get3A_559, %get3A_560] {strides = array<i32>} : memref<80x128xf32, #tpu.memory_space<vmem>>, vector<1x16xf32>,
          %get3A_562 = vector.shape_cast %get3A_561 : vector<1x16xf32> to vector<16xf32>
          %get3A_563 = arith.index_cast %add3A_460 : i32 to index
          %get3A_564 = arith.constant 112 : index
          %get3A_565 = tpu.vector_load %arg11[%get3A_563, %get3A_564] {strides = array<i32>} : memref<80x128xf32, #tpu.memory_space<vmem>>, vector<1x16xf32>,
          %get3A_566 = vector.shape_cast %get3A_565 : vector<1x16xf32> to vector<16xf32>
          %mul3A_567 = arith.mulf %get3A_562, %get3A_566 : vector<16xf32>
          %swap3A_568 = arith.index_cast %add3A_460 : i32 to index
          %swap3A_569 = arith.constant 112 : index
          %swap3A_570 = tpu.vector_load %arg10[%swap3A_568, %swap3A_569] {strides = array<i32>} : memref<80x128xf32, #tpu.memory_space<vmem>>, vector<1x16xf32>,
          %swap3A_571 = vector.shape_cast %swap3A_570 : vector<1x16xf32> to vector<16xf32>
          %swap3A_572 = vector.shape_cast %mul3A_567 : vector<16xf32> to vector<1x16xf32>
          tpu.vector_store %arg10[%swap3A_568, %swap3A_569], %swap3A_572 {strides = array<i32>} : memref<80x128xf32, #tpu.memory_space<vmem>>, vector<1x16xf32>,
        }
        %scan3A_106 = arith.constant 20 : i32
        %dma_start3A_107 = arith.constant 1 : i32
        %dma_start3A_108 = arith.constant 0 : i32
        %dma_start3A_109 = tpu.memref_slice %arg8[%dma_start3A_107, %dma_start3A_108] : memref<2x80xi32, #tpu.memory_space<vmem>> -> memref<1x80xi32, #tpu.memory_space<vmem>>
        %dma_start3A_110 = tpu.memref_squeeze %dma_start3A_109 : memref<1x80xi32, #tpu.memory_space<vmem>> -> memref<80xi32, #tpu.memory_space<vmem>>
        %dma_start3A_111 = arith.constant 0 : i32
        %dma_start3A_112 = arith.constant 0 : i32
        %dma_start3A_113 = tpu.memref_slice %arg12[%dma_start3A_111, %dma_start3A_112] : memref<10000x128xf32, #tpu.memory_space<vmem_shared>> -> memref<10000x128xf32, #tpu.memory_space<vmem_shared>>
        tpu.enqueue_indirect_dma source(%arg10 : memref<80x128xf32, #tpu.memory_space<vmem>>) target(%dma_start3A_113 : memref<10000x128xf32, #tpu.memory_space<vmem_shared>>) offsets(%dma_start3A_110 : memref<80xi32, #tpu.memory_space<vmem>>) semaphore(%arg16 : memref<!tpu.dma_semaphore, #tpu.memory_space<semaphore_mem>>) {add = true}
      } else {
      }
    }
    %scan3A_19 = arith.constant 63 : i32
    %dma_wait3A = arith.constant 1 : i32
    %dma_wait3A_20 = arith.constant 0 : i32
    %dma_wait3A_21 = tpu.memref_slice %arg7[%dma_wait3A, %dma_wait3A_20] : memref<2x80xi32, #tpu.memory_space<vmem>> -> memref<1x80xi32, #tpu.memory_space<vmem>>
    %dma_wait3A_22 = tpu.memref_squeeze %dma_wait3A_21 : memref<1x80xi32, #tpu.memory_space<vmem>> -> memref<80xi32, #tpu.memory_space<vmem>>
    %dma_wait3A_23 = arith.constant 0 : i32
    %dma_wait3A_24 = arith.constant 0 : i32
    %dma_wait3A_25 = tpu.memref_slice %arg12[%dma_wait3A_23, %dma_wait3A_24] : memref<10000x128xf32, #tpu.memory_space<vmem_shared>> -> memref<10000x128xf32, #tpu.memory_space<vmem_shared>>
    tpu.wait_indirect_dma semaphore(%arg15 : memref<!tpu.dma_semaphore, #tpu.memory_space<semaphore_mem>>) src(%arg9 : memref<80x128xf32, #tpu.memory_space<vmem>>) dst(%dma_wait3A_25 : memref<10000x128xf32, #tpu.memory_space<vmem_shared>>)
    %dma_wait3A_26 = arith.constant 1 : i32
    %dma_wait3A_27 = arith.constant 0 : i32
    %dma_wait3A_28 = tpu.memref_slice %arg8[%dma_wait3A_26, %dma_wait3A_27] : memref<2x80xi32, #tpu.memory_space<vmem>> -> memref<1x80xi32, #tpu.memory_space<vmem>>
    %dma_wait3A_29 = tpu.memref_squeeze %dma_wait3A_28 : memref<1x80xi32, #tpu.memory_space<vmem>> -> memref<80xi32, #tpu.memory_space<vmem>>
    %dma_wait3A_30 = arith.constant 0 : i32
    %dma_wait3A_31 = arith.constant 0 : i32
    %dma_wait3A_32 = tpu.memref_slice %arg12[%dma_wait3A_30, %dma_wait3A_31] : memref<10000x128xf32, #tpu.memory_space<vmem_shared>> -> memref<10000x128xf32, #tpu.memory_space<vmem_shared>>
    tpu.wait_indirect_dma semaphore(%arg16 : memref<!tpu.dma_semaphore, #tpu.memory_space<semaphore_mem>>) src(%arg10 : memref<80x128xf32, #tpu.memory_space<vmem>>) dst(%dma_wait3A_32 : memref<10000x128xf32, #tpu.memory_space<vmem_shared>>)
    %barrier3A_33 = arith.constant 0 : index
    tpu.barrier barrier_id(%barrier3A_33)
    %scan3A_34 = arith.constant 0 : i32
    %scan3A_35 = arith.constant 2 : i32
    %scan3A_36 = arith.addi %scan3A_34, %scan3A_35 : i32
    %scan3A_37 = arith.constant 1 : i32
    scf.for %scan3A_39 = %scan3A_34 to %scan3A_36 step %scan3A_37  : i32 {
      %mul3A_40 = arith.constant 1 : i32
      %mul3A_41 = arith.muli %scan3A_39, %mul3A_40 : i32
      %add3A_42 = arith.constant 0 : i32
      %add3A_43 = arith.addi %add3A_42, %mul3A_41 : i32
      %mul3A_44 = arith.constant 16 : i32
      %mul3A_45 = arith.muli %add3A_43, %mul3A_44 : i32
      %add3A_46 = arith.addi %arg1, %mul3A_45 : i32
      %lt3A = arith.constant 25 : i32
      %lt3A_47 = arith.cmpi slt, %add3A_46, %lt3A : i32
      %convert_element_type3A = arith.extui %lt3A_47 : i1 to i32
      %cond3A = arith.constant 0 : i32
      %cond3A_48 = arith.cmpi ne, %convert_element_type3A, %cond3A : i32
      scf.if %cond3A_48 {
        %mul3A_49 = arith.constant 400 : i32
        %mul3A_50 = arith.muli %add3A_46, %mul3A_49 : i32
        %mul3A_51 = arith.constant 10000 : i32
        %mul3A_52 = arith.muli %arg0, %mul3A_51 : i32
        %mul3A_53 = arith.constant 400 : i32
        %mul3A_54 = arith.muli %add3A_46, %mul3A_53 : i32
        %add3A_55 = arith.addi %mul3A_52, %mul3A_54 : i32
        "tpu.region"() ({
          %run_scoped3A = tpu.sem_alloc : memref<!tpu.dma_semaphore, #tpu.memory_space<semaphore_mem>>
          %dma_start3A_56 = arith.constant 0 : i32
          %dma_start3A_57 = tpu.memref_slice %arg6[%add3A_55, %dma_start3A_56] : memref<20000x128xf32, #tpu.memory_space<hbm>> -> memref<400x128xf32, #tpu.memory_space<hbm>>
          %dma_start3A_58 = arith.constant 0 : i32
          %dma_start3A_59 = tpu.memref_slice %arg12[%mul3A_50, %dma_start3A_58] : memref<10000x128xf32, #tpu.memory_space<vmem_shared>> -> memref<400x128xf32, #tpu.memory_space<vmem_shared>>
          tpu.enqueue_dma source(%dma_start3A_59 : memref<400x128xf32, #tpu.memory_space<vmem_shared>>) target(%dma_start3A_57 : memref<400x128xf32, #tpu.memory_space<hbm>>) target_semaphore(%run_scoped3A : memref<!tpu.dma_semaphore, #tpu.memory_space<semaphore_mem>>)
          %dma_wait3A_60 = arith.constant 0 : i32
          %dma_wait3A_61 = tpu.memref_slice %arg6[%add3A_55, %dma_wait3A_60] : memref<20000x128xf32, #tpu.memory_space<hbm>> -> memref<400x128xf32, #tpu.memory_space<hbm>>
          %dma_wait3A_62 = arith.constant 0 : i32
          %dma_wait3A_63 = tpu.memref_slice %arg12[%mul3A_50, %dma_wait3A_62] : memref<10000x128xf32, #tpu.memory_space<vmem_shared>> -> memref<400x128xf32, #tpu.memory_space<vmem_shared>>
          tpu.wait_dma2 semaphore(%run_scoped3A : memref<!tpu.dma_semaphore, #tpu.memory_space<semaphore_mem>>) src(%dma_wait3A_63 : memref<400x128xf32, #tpu.memory_space<vmem_shared>>) dst(%dma_wait3A_61 : memref<400x128xf32, #tpu.memory_space<hbm>>)
          tpu.yield
        }) : () -> ()
      } else {
      }
    }
    %scan3A_38 = arith.constant 2 : i32
    return
  }
}

module attributes {stable_mosaic.version = 14 : i64} {
  func.func @_cutoff_body(%arg0: memref<2500x128xf32, #tpu.memory_space<vmem>>, %arg1: memref<2500x128xf32, #tpu.memory_space<vmem>>) attributes {dimension_semantics = [], scalar_prefetch = 0 : i64, scratch_operands = 0 : i64, tpu.core_type = #tpu.core_type<tc>} {
    %get3A = arith.constant 0 : index
    %get3A_0 = arith.constant 0 : index
    %get3A_1 = vector.load %arg0[%get3A, %get3A_0] : memref<2500x128xf32, #tpu.memory_space<vmem>>, vector<2500x128xf32>
    %mul3A = arith.constant 0.628318548 : f32
    %mul3A_2 = vector.broadcast %mul3A : f32 to vector<2500x128xf32>
    %mul3A_3 = arith.mulf %get3A_1, %mul3A_2 : vector<2500x128xf32>
    %cos3A = math.cos %mul3A_3 : vector<2500x128xf32>
    %add3A = arith.constant 1.000000e+00 : f32
    %add3A_4 = vector.broadcast %add3A : f32 to vector<2500x128xf32>
    %add3A_5 = arith.addf %cos3A, %add3A_4 : vector<2500x128xf32>
    %mul3A_6 = arith.constant 5.000000e-01 : f32
    %mul3A_7 = vector.broadcast %mul3A_6 : f32 to vector<2500x128xf32>
    %mul3A_8 = arith.mulf %mul3A_7, %add3A_5 : vector<2500x128xf32>
    %lt3A = arith.constant 5.000000e+00 : f32
    %lt3A_9 = vector.broadcast %lt3A : f32 to vector<2500x128xf32>
    %lt3A_10 = arith.cmpf olt, %get3A_1, %lt3A_9 : vector<2500x128xf32>
    %convert_element_type3A = arith.extui %lt3A_10 : vector<2500x128xi1> to vector<2500x128xi32>
    %convert_element_type3A_11 = arith.sitofp %convert_element_type3A : vector<2500x128xi32> to vector<2500x128xf32>
    %mul3A_12 = arith.mulf %mul3A_8, %convert_element_type3A_11 : vector<2500x128xf32>
    %swap3A = arith.constant 0 : index
    %swap3A_13 = arith.constant 0 : index
    %swap3A_14 = vector.load %arg1[%swap3A, %swap3A_13] : memref<2500x128xf32, #tpu.memory_space<vmem>>, vector<2500x128xf32>
    tpu.vector_store %arg1[%swap3A, %swap3A_13], %mul3A_12 {strides = array<i32>} : memref<2500x128xf32, #tpu.memory_space<vmem>>, vector<2500x128xf32>,
    return
  }
}

module attributes {stable_mosaic.version = 14 : i64} {
  func.func @_proj_body(%arg0: i32, %arg1: memref<1000x128xf32, #tpu.memory_space<vmem>>, %arg2: memref<128x128xf32, #tpu.memory_space<vmem>>, %arg3: memref<1000x128xf32, #tpu.memory_space<vmem>>) attributes {dimension_semantics = [#tpu.dimension_semantics<arbitrary>], iteration_bounds = array<i64: 10>, scalar_prefetch = 0 : i64, scratch_operands = 0 : i64, tpu.core_type = #tpu.core_type<tc>, window_params = [{transform_indices = @transform_0, window_bounds = array<i64: 1000, 128>}, {pipeline_mode = #tpu.pipeline_mode<synchronous>, transform_indices = @transform_1, window_bounds = array<i64: 128, 128>}, {transform_indices = @transform_2, window_bounds = array<i64: 1000, 128>}]} {
    %get3A = arith.constant 0 : index
    %get3A_0 = arith.constant 0 : index
    %get3A_1 = vector.load %arg1[%get3A, %get3A_0] : memref<1000x128xf32, #tpu.memory_space<vmem>>, vector<1000x128xf32>
    %get3A_2 = arith.constant 0 : index
    %get3A_3 = arith.constant 0 : index
    %get3A_4 = vector.load %arg2[%get3A_2, %get3A_3] : memref<128x128xf32, #tpu.memory_space<vmem>>, vector<128x128xf32>
    %dot_general3A = arith.constant dense<0.000000e+00> : vector<1000x128xf32>
    %dot_general3A_5 = tpu.matmul %get3A_1, %get3A_4, %dot_general3A {dimension_numbers = #tpu.dot_dimension_numbers<[1], [0], [0], [1], [0, 0, 1, 1], [], []>, transpose_lhs_hint = false} : vector<1000x128xf32>, vector<128x128xf32>, vector<1000x128xf32> -> vector<1000x128xf32>
    %swap3A = arith.constant 0 : index
    %swap3A_6 = arith.constant 0 : index
    %swap3A_7 = vector.load %arg3[%swap3A, %swap3A_6] : memref<1000x128xf32, #tpu.memory_space<vmem>>, vector<1000x128xf32>
    tpu.vector_store %arg3[%swap3A, %swap3A_6], %dot_general3A_5 {strides = array<i32>} : memref<1000x128xf32, #tpu.memory_space<vmem>>, vector<1000x128xf32>,
    return
  }
  func.func @transform_0(%arg0: i32) -> (i32, i32) {
    %c0_i32 = arith.constant 0 : i32
    %c0_i32_0 = arith.constant 0 : i32
    return %arg0, %c0_i32 : i32, i32
  }
  func.func @transform_1(%arg0: i32) -> (i32, i32) {
    %c0_i32 = arith.constant 0 : i32
    %c0_i32_0 = arith.constant 0 : i32
    %c0_i32_1 = arith.constant 0 : i32
    return %c0_i32, %c0_i32_0 : i32, i32
  }
  func.func @transform_2(%arg0: i32) -> (i32, i32) {
    %c0_i32 = arith.constant 0 : i32
    %c0_i32_0 = arith.constant 0 : i32
    return %arg0, %c0_i32 : i32, i32
  }
}

module attributes {stable_mosaic.version = 14 : i64} {
  func.func @_filter_body(%arg0: i32, %arg1: memref<2560x16xf32, #tpu.memory_space<vmem>>, %arg2: memref<2560x1xf32, #tpu.memory_space<vmem>>, %arg3: memref<16x128xf32, #tpu.memory_space<vmem>>, %arg4: memref<1x128xf32, #tpu.memory_space<vmem>>, %arg5: memref<128x128xf32, #tpu.memory_space<vmem>>, %arg6: memref<1x128xf32, #tpu.memory_space<vmem>>, %arg7: memref<2560x128xf32, #tpu.memory_space<vmem>>) attributes {dimension_semantics = [#tpu.dimension_semantics<arbitrary>], iteration_bounds = array<i64: 125>, scalar_prefetch = 0 : i64, scratch_operands = 0 : i64, tpu.core_type = #tpu.core_type<tc>, window_params = [{transform_indices = @transform_0, window_bounds = array<i64: 2560, 16>}, {transform_indices = @transform_1, window_bounds = array<i64: 2560, 1>}, {pipeline_mode = #tpu.pipeline_mode<synchronous>, transform_indices = @transform_2, window_bounds = array<i64: 16, 128>}, {pipeline_mode = #tpu.pipeline_mode<synchronous>, transform_indices = @transform_3, window_bounds = array<i64: 1, 128>}, {pipeline_mode = #tpu.pipeline_mode<synchronous>, transform_indices = @transform_4, window_bounds = array<i64: 128, 128>}, {pipeline_mode = #tpu.pipeline_mode<synchronous>, transform_indices = @transform_5, window_bounds = array<i64: 1, 128>}, {transform_indices = @transform_6, window_bounds = array<i64: 2560, 128>}]} {
    %get3A = arith.constant 0 : index
    %get3A_0 = arith.constant 0 : index
    %get3A_1 = vector.load %arg1[%get3A, %get3A_0] : memref<2560x16xf32, #tpu.memory_space<vmem>>, vector<2560x16xf32>
    %get3A_2 = arith.constant 0 : index
    %get3A_3 = arith.constant 0 : index
    %get3A_4 = vector.load %arg3[%get3A_2, %get3A_3] : memref<16x128xf32, #tpu.memory_space<vmem>>, vector<16x128xf32>
    %dot_general3A = arith.constant dense<0.000000e+00> : vector<2560x128xf32>
    %dot_general3A_5 = tpu.matmul %get3A_1, %get3A_4, %dot_general3A {dimension_numbers = #tpu.dot_dimension_numbers<[1], [0], [0], [1], [0, 0, 1, 1], [], []>, transpose_lhs_hint = false} : vector<2560x16xf32>, vector<16x128xf32>, vector<2560x128xf32> -> vector<2560x128xf32>
    %get3A_6 = arith.constant 0 : index
    %get3A_7 = arith.constant 0 : index
    %get3A_8 = vector.load %arg4[%get3A_6, %get3A_7] : memref<1x128xf32, #tpu.memory_space<vmem>>, vector<1x128xf32>
    %add3A = vector.broadcast %get3A_8 : vector<1x128xf32> to vector<2560x128xf32>
    %add3A_9 = arith.addf %dot_general3A_5, %add3A : vector<2560x128xf32>
    %logistic3A = arith.negf %add3A_9 : vector<2560x128xf32>
    %logistic3A_10 = math.exp %logistic3A : vector<2560x128xf32>
    %logistic3A_11 = arith.constant 1.000000e+00 : f32
    %logistic3A_12 = vector.broadcast %logistic3A_11 : f32 to vector<2560x128xf32>
    %logistic3A_13 = arith.addf %logistic3A_12, %logistic3A_10 : vector<2560x128xf32>
    %logistic3A_14 = arith.divf %logistic3A_12, %logistic3A_13 : vector<2560x128xf32>
    %mul3A = arith.mulf %add3A_9, %logistic3A_14 : vector<2560x128xf32>
    %get3A_15 = arith.constant 0 : index
    %get3A_16 = arith.constant 0 : index
    %get3A_17 = vector.load %arg5[%get3A_15, %get3A_16] : memref<128x128xf32, #tpu.memory_space<vmem>>, vector<128x128xf32>
    %dot_general3A_18 = arith.constant dense<0.000000e+00> : vector<2560x128xf32>
    %dot_general3A_19 = tpu.matmul %mul3A, %get3A_17, %dot_general3A_18 {dimension_numbers = #tpu.dot_dimension_numbers<[1], [0], [0], [1], [0, 0, 1, 1], [], []>, transpose_lhs_hint = false} : vector<2560x128xf32>, vector<128x128xf32>, vector<2560x128xf32> -> vector<2560x128xf32>
    %get3A_20 = arith.constant 0 : index
    %get3A_21 = arith.constant 0 : index
    %get3A_22 = vector.load %arg6[%get3A_20, %get3A_21] : memref<1x128xf32, #tpu.memory_space<vmem>>, vector<1x128xf32>
    %add3A_23 = vector.broadcast %get3A_22 : vector<1x128xf32> to vector<2560x128xf32>
    %add3A_24 = arith.addf %dot_general3A_19, %add3A_23 : vector<2560x128xf32>
    %get3A_25 = arith.constant 0 : index
    %get3A_26 = arith.constant 0 : index
    %get3A_27 = vector.load %arg2[%get3A_25, %get3A_26] : memref<2560x1xf32, #tpu.memory_space<vmem>>, vector<2560x1xf32>
    %mul3A_28 = vector.broadcast %get3A_27 : vector<2560x1xf32> to vector<2560x128xf32>
    %mul3A_29 = arith.mulf %add3A_24, %mul3A_28 : vector<2560x128xf32>
    %swap3A = arith.constant 0 : index
    %swap3A_30 = arith.constant 0 : index
    %swap3A_31 = vector.load %arg7[%swap3A, %swap3A_30] : memref<2560x128xf32, #tpu.memory_space<vmem>>, vector<2560x128xf32>
    tpu.vector_store %arg7[%swap3A, %swap3A_30], %mul3A_29 {strides = array<i32>} : memref<2560x128xf32, #tpu.memory_space<vmem>>, vector<2560x128xf32>,
    return
  }
  func.func @transform_0(%arg0: i32) -> (i32, i32) {
    %c0_i32 = arith.constant 0 : i32
    %c0_i32_0 = arith.constant 0 : i32
    return %arg0, %c0_i32 : i32, i32
  }
  func.func @transform_1(%arg0: i32) -> (i32, i32) {
    %c0_i32 = arith.constant 0 : i32
    %c0_i32_0 = arith.constant 0 : i32
    return %arg0, %c0_i32 : i32, i32
  }
  func.func @transform_2(%arg0: i32) -> (i32, i32) {
    %c0_i32 = arith.constant 0 : i32
    %c0_i32_0 = arith.constant 0 : i32
    %c0_i32_1 = arith.constant 0 : i32
    return %c0_i32, %c0_i32_0 : i32, i32
  }
  func.func @transform_3(%arg0: i32) -> (i32, i32) {
    %c0_i32 = arith.constant 0 : i32
    %c0_i32_0 = arith.constant 0 : i32
    %c0_i32_1 = arith.constant 0 : i32
    return %c0_i32, %c0_i32_0 : i32, i32
  }
  func.func @transform_4(%arg0: i32) -> (i32, i32) {
    %c0_i32 = arith.constant 0 : i32
    %c0_i32_0 = arith.constant 0 : i32
    %c0_i32_1 = arith.constant 0 : i32
    return %c0_i32, %c0_i32_0 : i32, i32
  }
  func.func @transform_5(%arg0: i32) -> (i32, i32) {
    %c0_i32 = arith.constant 0 : i32
    %c0_i32_0 = arith.constant 0 : i32
    %c0_i32_1 = arith.constant 0 : i32
    return %c0_i32, %c0_i32_0 : i32, i32
  }
  func.func @transform_6(%arg0: i32) -> (i32, i32) {
    %c0_i32 = arith.constant 0 : i32
    %c0_i32_0 = arith.constant 0 : i32
    return %arg0, %c0_i32 : i32, i32
  }
}

module attributes {stable_mosaic.version = 14 : i64} {
  func.func @_tail_body(%arg0: i32, %arg1: memref<1xi32, #tpu.memory_space<smem>>, %arg2: memref<1000x128xf32, #tpu.memory_space<vmem>>, %arg3: memref<1000x128xf32, #tpu.memory_space<vmem>>, %arg4: memref<128x128xf32, #tpu.memory_space<vmem>>, %arg5: memref<1x128xf32, #tpu.memory_space<vmem>>, %arg6: memref<128x128xf32, #tpu.memory_space<vmem>>, %arg7: memref<1x128xf32, #tpu.memory_space<vmem>>, %arg8: memref<1000x128xf32, #tpu.memory_space<vmem>>) attributes {dimension_semantics = [#tpu.dimension_semantics<arbitrary>], iteration_bounds = array<i64: 10>, scalar_prefetch = 0 : i64, scratch_operands = 0 : i64, tpu.core_type = #tpu.core_type<tc>, window_params = [{transform_indices = @transform_0, window_bounds = array<i64: 1>}, {transform_indices = @transform_1, window_bounds = array<i64: 1000, 128>}, {transform_indices = @transform_2, window_bounds = array<i64: 1000, 128>}, {pipeline_mode = #tpu.pipeline_mode<synchronous>, transform_indices = @transform_3, window_bounds = array<i64: 128, 128>}, {pipeline_mode = #tpu.pipeline_mode<synchronous>, transform_indices = @transform_4, window_bounds = array<i64: 1, 128>}, {pipeline_mode = #tpu.pipeline_mode<synchronous>, transform_indices = @transform_5, window_bounds = array<i64: 128, 128>}, {pipeline_mode = #tpu.pipeline_mode<synchronous>, transform_indices = @transform_6, window_bounds = array<i64: 1, 128>}, {transform_indices = @transform_7, window_bounds = array<i64: 1000, 128>}]} {
    %get3A = arith.constant 0 : index
    %get3A_0 = arith.constant 0 : index
    %get3A_1 = vector.load %arg2[%get3A, %get3A_0] : memref<1000x128xf32, #tpu.memory_space<vmem>>, vector<1000x128xf32>
    %get3A_2 = arith.constant 0 : index
    %get3A_3 = arith.constant 0 : index
    %get3A_4 = vector.load %arg3[%get3A_2, %get3A_3] : memref<1000x128xf32, #tpu.memory_space<vmem>>, vector<1000x128xf32>
    %add3A = arith.addf %get3A_1, %get3A_4 : vector<1000x128xf32>
    %mul3A = arith.constant 1000 : i32
    %mul3A_5 = arith.muli %arg0, %mul3A : i32
    %iota3A = tpu.iota {dimensions = array<i32: 0>} : vector<1000x1xi32>
    %add3A_6 = vector.broadcast %mul3A_5 : i32 to vector<1000x1xi32>
    %add3A_7 = arith.addi %add3A_6, %iota3A : vector<1000x1xi32>
    %get3A_8 = arith.constant 0 : index
    %get3A_9 = memref.load %arg1[%get3A_8] : memref<1xi32, #tpu.memory_space<smem>>
    %lt3A = vector.broadcast %get3A_9 : i32 to vector<1000x1xi32>
    %lt3A_10 = arith.cmpi slt, %add3A_7, %lt3A : vector<1000x1xi32>
    %jit3A = arith.constant 0.000000e+00 : f32
    %broadcast_in_dim3A = vector.shape_cast %lt3A_10 : vector<1000x1xi1> to vector<1000x1xi1>
    %broadcast_in_dim3A_11 = vector.broadcast %broadcast_in_dim3A : vector<1000x1xi1> to vector<1000x128xi1>
    %broadcast_in_dim3A_12 = vector.broadcast %jit3A : f32 to vector<1000x128xf32>
    %select_n3A = arith.select %broadcast_in_dim3A_11, %add3A, %broadcast_in_dim3A_12 : vector<1000x128xi1>, vector<1000x128xf32>
    %get3A_13 = arith.constant 0 : index
    %get3A_14 = arith.constant 0 : index
    %get3A_15 = vector.load %arg4[%get3A_13, %get3A_14] : memref<128x128xf32, #tpu.memory_space<vmem>>, vector<128x128xf32>
    %dot_general3A = arith.constant dense<0.000000e+00> : vector<1000x128xf32>
    %dot_general3A_16 = tpu.matmul %select_n3A, %get3A_15, %dot_general3A {dimension_numbers = #tpu.dot_dimension_numbers<[1], [0], [0], [1], [0, 0, 1, 1], [], []>, transpose_lhs_hint = false} : vector<1000x128xf32>, vector<128x128xf32>, vector<1000x128xf32> -> vector<1000x128xf32>
    %get3A_17 = arith.constant 0 : index
    %get3A_18 = arith.constant 0 : index
    %get3A_19 = vector.load %arg5[%get3A_17, %get3A_18] : memref<1x128xf32, #tpu.memory_space<vmem>>, vector<1x128xf32>
    %add3A_20 = vector.broadcast %get3A_19 : vector<1x128xf32> to vector<1000x128xf32>
    %add3A_21 = arith.addf %dot_general3A_16, %add3A_20 : vector<1000x128xf32>
    %logistic3A = arith.negf %add3A_21 : vector<1000x128xf32>
    %logistic3A_22 = math.exp %logistic3A : vector<1000x128xf32>
    %logistic3A_23 = arith.constant 1.000000e+00 : f32
    %logistic3A_24 = vector.broadcast %logistic3A_23 : f32 to vector<1000x128xf32>
    %logistic3A_25 = arith.addf %logistic3A_24, %logistic3A_22 : vector<1000x128xf32>
    %logistic3A_26 = arith.divf %logistic3A_24, %logistic3A_25 : vector<1000x128xf32>
    %mul3A_27 = arith.mulf %add3A_21, %logistic3A_26 : vector<1000x128xf32>
    %get3A_28 = arith.constant 0 : index
    %get3A_29 = arith.constant 0 : index
    %get3A_30 = vector.load %arg6[%get3A_28, %get3A_29] : memref<128x128xf32, #tpu.memory_space<vmem>>, vector<128x128xf32>
    %dot_general3A_31 = arith.constant dense<0.000000e+00> : vector<1000x128xf32>
    %dot_general3A_32 = tpu.matmul %mul3A_27, %get3A_30, %dot_general3A_31 {dimension_numbers = #tpu.dot_dimension_numbers<[1], [0], [0], [1], [0, 0, 1, 1], [], []>, transpose_lhs_hint = false} : vector<1000x128xf32>, vector<128x128xf32>, vector<1000x128xf32> -> vector<1000x128xf32>
    %get3A_33 = arith.constant 0 : index
    %get3A_34 = arith.constant 0 : index
    %get3A_35 = vector.load %arg7[%get3A_33, %get3A_34] : memref<1x128xf32, #tpu.memory_space<vmem>>, vector<1x128xf32>
    %add3A_36 = vector.broadcast %get3A_35 : vector<1x128xf32> to vector<1000x128xf32>
    %add3A_37 = arith.addf %dot_general3A_32, %add3A_36 : vector<1000x128xf32>
    %swap3A = arith.constant 0 : index
    %swap3A_38 = arith.constant 0 : index
    %swap3A_39 = vector.load %arg8[%swap3A, %swap3A_38] : memref<1000x128xf32, #tpu.memory_space<vmem>>, vector<1000x128xf32>
    tpu.vector_store %arg8[%swap3A, %swap3A_38], %add3A_37 {strides = array<i32>} : memref<1000x128xf32, #tpu.memory_space<vmem>>, vector<1000x128xf32>,
    return
  }
  func.func @transform_0(%arg0: i32) -> i32 {
    %c0_i32 = arith.constant 0 : i32
    %c0_i32_0 = arith.constant 0 : i32
    return %c0_i32 : i32
  }
  func.func @transform_1(%arg0: i32) -> (i32, i32) {
    %c0_i32 = arith.constant 0 : i32
    %c0_i32_0 = arith.constant 0 : i32
    return %arg0, %c0_i32 : i32, i32
  }
  func.func @transform_2(%arg0: i32) -> (i32, i32) {
    %add3A = arith.constant 10 : i32
    %add3A_0 = arith.addi %arg0, %add3A : i32
    %c0_i32 = arith.constant 0 : i32
    %c0_i32_1 = arith.constant 0 : i32
    return %add3A_0, %c0_i32 : i32, i32
  }
  func.func @transform_3(%arg0: i32) -> (i32, i32) {
    %c0_i32 = arith.constant 0 : i32
    %c0_i32_0 = arith.constant 0 : i32
    %c0_i32_1 = arith.constant 0 : i32
    return %c0_i32, %c0_i32_0 : i32, i32
  }
  func.func @transform_4(%arg0: i32) -> (i32, i32) {
    %c0_i32 = arith.constant 0 : i32
    %c0_i32_0 = arith.constant 0 : i32
    %c0_i32_1 = arith.constant 0 : i32
    return %c0_i32, %c0_i32_0 : i32, i32
  }
  func.func @transform_5(%arg0: i32) -> (i32, i32) {
    %c0_i32 = arith.constant 0 : i32
    %c0_i32_0 = arith.constant 0 : i32
    %c0_i32_1 = arith.constant 0 : i32
    return %c0_i32, %c0_i32_0 : i32, i32
  }
  func.func @transform_6(%arg0: i32) -> (i32, i32) {
    %c0_i32 = arith.constant 0 : i32
    %c0_i32_0 = arith.constant 0 : i32
    %c0_i32_1 = arith.constant 0 : i32
    return %c0_i32, %c0_i32_0 : i32, i32
  }
  func.func @transform_7(%arg0: i32) -> (i32, i32) {
    %c0_i32 = arith.constant 0 : i32
    %c0_i32_0 = arith.constant 0 : i32
    return %arg0, %c0_i32 : i32, i32
  }
}

</mosaic_0001>

<sc_bundles>
// kernel: kernel.7.cloned.1.call-start
scs
__scs_entry_jumppad:
0x0: {  	(pc) =	sbr.rel $0x88, $3  }
0x1: {  	(tag) =	ssettag $0x0;
	lr =	simm.s32 $0x1  }
0x2: {  	[smem:$0x3F93] =	sst lr;
	_ =	strace $0xD0000000  }
0x3: {  	_ = 	snop  }
0x4: {  	_ = 	snop  }
0x5: {  	_ = 	snop  }
0x6: {  	_ = 	snop  }
0x7: {  	_ = 	snop  }
__scs_overlays_trampoline_lowered:
0x8: {  	[smem:$0x3FA2] =	sst s0  }
0x9: {  	[smem:$0x3FA3] =	sst s1  }
0xa: {  	[smem:$0x3FA4] =	sst s2  }
0xb: {  	[smem:$0x3FA5] =	sst s3  }
0xc: {  	[smem:$0x3FA6] =	sst s4  }
0xd: {  	[smem:$0x3FA7] =	sst s5  }
0xe: {  	[smem:$0x3FA8] =	sst s6  }
0xf: {  	[smem:$0x3FA9] =	sst s7  }
0x10: {  	[smem:$0x3FAA] =	sst s8  }
0x11: {  	[smem:$0x3FAB] =	sst s9;
	s0 =	simm.s32 @!p0 $0x0  }
0x12: {  	s1 =	sld [smem:$0x3F91];
	s0 =	simm.s32 @p0 $0x1  }
0x13: {  	[smem:$0x3FAC] =	sst s0;
	s0 =	simm.s32 @!p1 $0x0  }
0x14: {  	s2 =	sld [smem:$0x3F90];
	s0 =	simm.s32 @p1 $0x1  }
0x15: {  	[smem:$0x3FAD] =	sst s0;
	s0 =	simm.s32 @!p2 $0x0  }
0x16: {  	s3 =	sld [smem:$0x3FDB];
	s0 =	simm.s32 @p2 $0x1  }
0x17: {  	s4 =	simm.s32 $0x1BF5;
	[smem:$0x3FAF] =	sst s0  }
0x18: {  	s0 =	sld [smem:$0x3F92];
	_ =	swait.ge [sflag:s4], $0x0  }
0x19: {  	s7 =	sld [smem:$0x3F93]  }
0x1a: {  	s8 =	sadd.s32 $0xFFFFE003, lr  }
0x1b: {  	s9 =	sadd.s32 $0xFFFFFEF7, lr;
	s5 =	simm.s32 $0xFFFFFFFF;
	p2 =	slt.u32 s8, $0xFFFFF086  }
0x1c: {  	p1 =	slt.u32 s9, $0xF7A;
	s5 =	simm.s32 @!p2 $0x0  }
0x1d: {  	s5 =	simm.s32 @p1 $0x1;
	p0 =	seq.s32 s7, s2  }
0x1e: {  	s7 =	smul.u32 @!p0 $0xF7A, s2;
	p2 =	seq.s32 @!p0 s5, $0x0  }
0x1f: {  	s9 =	smul.u32 $0xF7A, s1;
	s8 =	simm.s32 @!p0 $0x1BF5;
	p2 =	por !p2, p0  }
0x20: {  	[sflag:s8] =	ssyncset.s32 @!p0 $0xFFFFF086;
	s6 =	sadd.s32 @!p0 s3, s7;
	s7 =	simm.s32 @!p0 $0x108  }
0x21: {  	s3 =	sadd.s32 s3, s9;
	s6 =	sadd.s32 @!p0 $0x88, s6;
	s7 =	simm.s32 @p2 $0x1082  }
0x22: {  	[simem:s7], [sflag:s8] =	dma.local @!p0 [hbm:s6], $0xF7A  }
0x23: {  	s9 =	sor.u32 $0xD0000000, s2;
	s6 =	simm.s32 $0x108;
	_ =	swait.ge @!p0 [sflag:s8], $0x0  }
0x24: {  	s3 =	sadd.s32 $0x88, s3;
	s6 =	simm.s32 @!p1 $0x1082;
	[sflag:s4] =	ssyncset.s32 $0xFFFFF086  }
0x25: {  	[simem:s6], [sflag:s4] =	dma.local [hbm:s3], $0xF7A  }
0x26: {  	[smem:$0x3F93] =	sst s1;
	(tag) =	ssettag s2;
	_ =	strace s9  }
0x27: {  	s1 =	sld [smem:$0x3FA3]  }
0x28: {  	s2 =	sld [smem:$0x3FA4]  }
0x29: {  	s4 =	sld [smem:$0x3FA6]  }
0x2a: {  	p0 =	seq.s32 s5, $0x0;
	s5 =	sld [smem:$0x3FA7]  }
0x2b: {  	s6 =	sld [smem:$0x3FA8]  }
0x2c: {  	s7 =	sld [smem:$0x3FA9]  }
0x2d: {  	s3 =	simm.s32 $0x108;
	s8 =	sld [smem:$0x3FAA]  }
0x2e: {  	s3 =	simm.s32 @!p0 $0x1082;
	s9 =	sld [smem:$0x3FAB]  }
0x2f: {  	lr =	sadd.s32 s0, s3;
	s0 =	sld [smem:$0x3FA2]  }
0x30: {  	s3 =	sld [smem:$0x3FA5]  }
0x31: {  	[smem:$0x3FAE] =	sst s10  }
0x32: {  	s10 =	sld [smem:$0x3FAC];
	_ =	sdelay $0x3  }
0x33: {  	p0 =	seq.s32 s10, $0x1;
	s10 =	sld [smem:$0x3FAE];
	_ =	sdelay $0x3  }
0x34: {  	[smem:$0x3FAE] =	sst s10  }
0x35: {  	s10 =	sld [smem:$0x3FAD];
	_ =	sdelay $0x3  }
0x36: {  	p1 =	seq.s32 s10, $0x1;
	s10 =	sld [smem:$0x3FAE];
	_ =	sdelay $0x3  }
0x37: {  	[smem:$0x3FAE] =	sst s10  }
0x38: {  	s10 =	sld [smem:$0x3FAF]  }
0x39: {  	_ = 	snop;
	(pc) =	sbr.ind lr, $3  }
0x3a: {  	_ = 	snop  }
0x3b: {  	_ = 	snop  }
0x3c: {  	p2 =	seq.s32 s10, $0x1;
	s10 =	sld [smem:$0x3FAE]  }
0x3d: {  	_ =	shalt  }
0x3e: {  	_ =	shalt  }
0x3f: {  	_ =	shalt  }
0x40: {  	_ =	shalt  }
0x41: {  	_ =	shalt  }
0x42: {  	_ =	shalt  }
0x43: {  	_ =	shalt  }
0x44: {  	_ =	shalt  }
0x45: {  	_ =	shalt  }
0x46: {  	_ =	shalt  }
0x47: {  	_ =	shalt  }
0x48: {  	_ =	shalt  }
0x49: {  	_ =	shalt  }
0x4a: {  	_ =	shalt  }
0x4b: {  	_ =	shalt  }
0x4c: {  	_ =	shalt  }
0x4d: {  	_ =	shalt  }
0x4e: {  	_ =	shalt  }
0x4f: {  	_ =	shalt  }
0x50: {  	_ =	shalt  }
0x51: {  	_ =	shalt  }
0x52: {  	_ =	shalt  }
0x53: {  	_ =	shalt  }
0x54: {  	_ =	shalt  }
0x55: {  	_ =	shalt  }
0x56: {  	_ =	shalt  }
0x57: {  	_ =	shalt  }
0x58: {  	_ =	shalt  }
0x59: {  	_ =	shalt  }
0x5a: {  	_ =	shalt  }
0x5b: {  	_ =	shalt  }
0x5c: {  	_ =	shalt  }
0x5d: {  	_ =	shalt  }
0x5e: {  	_ =	shalt  }
0x5f: {  	_ =	shalt  }
0x60: {  	_ =	shalt  }
0x61: {  	_ =	shalt  }
0x62: {  	_ =	shalt  }
0x63: {  	_ =	shalt  }
0x64: {  	_ =	shalt  }
0x65: {  	_ =	shalt  }
0x66: {  	_ =	shalt  }
0x67: {  	_ =	shalt  }
0x68: {  	_ =	shalt  }
0x69: {  	_ =	shalt  }
0x6a: {  	_ =	shalt  }
0x6b: {  	_ =	shalt  }
0x6c: {  	_ =	shalt  }
0x6d: {  	_ =	shalt  }
0x6e: {  	_ =	shalt  }
0x6f: {  	_ =	shalt  }
0x70: {  	_ =	shalt  }
0x71: {  	_ =	shalt  }
0x72: {  	_ =	shalt  }
0x73: {  	_ =	shalt  }
0x74: {  	_ =	shalt  }
0x75: {  	_ =	shalt  }
0x76: {  	_ =	shalt  }
0x77: {  	_ =	shalt  }
0x78: {  	_ =	shalt  }
0x79: {  	_ =	shalt  }
0x7a: {  	_ =	shalt  }
0x7b: {  	_ =	shalt  }
0x7c: {  	_ =	shalt  }
0x7d: {  	_ =	shalt  }
0x7e: {  	_ =	shalt  }
0x7f: {  	_ =	shalt  }
0x80: {  	_ =	shalt  }
0x81: {  	_ =	shalt  }
0x82: {  	_ =	shalt  }
0x83: {  	_ =	shalt  }
0x84: {  	_ =	shalt  }
0x85: {  	_ =	shalt  }
0x86: {  	_ =	shalt  }
0x87: {  	_ =	shalt  }
.Lfunc_end0:
.L_simem_size_0:
called_computation_lowered:
.L_overlay_start_0:
0x88: {  	s2 =	sld [smem:$0x3FD9]  }
0x89: {  	s3 =	sld [smem:$0x3FFE];
	_ =	sdelay $0x1  }
0x8a: {  	s1 =	srdreg.scid  }
0x8b: {  	s0 =	sand.u32 $0x1, s1  }
0x8c: {  	s17 =	sshll.u32 s0, $0xA;
	s2 =	sadd.s32 s3, s2  }
0x8d: {  	s2 =	sadd.s32 s2, s17  }
0x8e: {  	[smem:$0x3FBA] =	sst s2  }
0x8f: {  	_ = 	snop  }
0x90: {  	s2 =	sld [smem:$0x3FD0];
	(tm) =	ssettm $0x1  }
0x91: {  	s18 =	sld [smem:$0x3FFB];
	_ =	sdelay $0x3  }
0x92: {  	_ =	strace s18  }
0x93: {  	s3 =	sld [smem:$0x3FFC];
	_ =	sdelay $0x3  }
0x94: {  	_ =	strace s3  }
0x95: {  	s3 =	sld [smem:$0x3FFD];
	_ =	sdelay $0x3  }
0x96: {  	_ =	strace s3  }
0x97: {  	_ =	strace $0x8FFFFFFF  }
0x98: {  	s19 =	sld [smem:$0x3FDB];
	_ =	sdelay $0x1  }
0x99: {  	s4 =	simm.s32 $_scs_section_size  }
0x9a: {  	s5 =	simm.s32 $_size__tile_overlayer_lowered;
	s6 =	simm.s32 $_tile_overlayer_lowered  }
0x9b: {  	s22 =	simm.s32 $0x1BFF;
	s21 =	sshll.u32 s6, $0x1;
	s3 =	sadd.s32 s4, s19  }
0x9c: {  	s7 =	simm.s32 $0x0;
	s20 =	sshll.u32 s5, $0x1;
	s5 =	sadd.s32 s21, s3  }
0x9d: {  	[timem:s7], [sflag:s22] =	dma.local [hbm:s5], s20  }
0x9e: {  	_ =	swait.ge [sflag:s22], s20  }
0x9f: {  	s4 =	ssub.s32 $0x0, s20;
	[sflag:s22] =	ssyncset.done $0x0  }
0xa0: {  	[sflag:s22] =	ssyncadd.s32 s4;
	_ =	sdelay $0x1  }
0xa1: {  	s23 =	simm.s32 $0x1B8B  }
0xa2: {  	_ =	swait.ge [sflag:s23], $0x1  }
0xa3: {  	[sflag:s23] =	ssyncset.done $0x0  }
0xa4: {  	s25 =	simm.s32 $0x1B8E;
	s24 =	sld [smem:$0x3FFE];
	[sflag:s23] =	ssyncadd.s32 $0xFFFFFFFF  }
0xa5: {  	s26 =	simm.s32 $execute0_lowered;
	[smem:$0x3FD2] =	sst s25  }
0xa6: {  	s5 =	sshll.u32 s26, $0x1;
	_ =	strace $0x80000046;
	[dreg:$0x1] =	wrdreg $0xFFFFFFFF  }
0xa7: {  	s28 =	simm.s32 $_size_execute0_lowered;
	s3 =	sadd.s32 s3, s5;
	[dreg:$0x0] =	wrdreg $0x0  }
0xa8: {  	s5 =	sshll.u32 s28, $0x1;
	[dreg:$0x2] =	wrdreg s3  }
0xa9: {  	[dreg:$0x3] =	wrdreg s5  }
0xaa: {  	[dreg:$0x4] =	wrdreg $0xC0  }
0xab: {  	_ =	task [dreg:s7], $0x5FFFF  }
0xac: {  	[dreg:$0x1] =	wrdreg $0xFFFFFFFF  }
0xad: {  	[dreg:$0x0] =	wrdreg $0x60  }
0xae: {  	[dreg:$0x2] =	wrdreg s2  }
0xaf: {  	[dreg:$0x3] =	wrdreg s24  }
0xb0: {  	[dreg:$0x4] =	wrdreg $0x7A000  }
0xb1: {  	[dreg:$0x5] =	wrdreg $0x9  }
0xb2: {  	_ =	task.clear_ibuf [dreg:s7], $0x6FFFF;
	_ =	strace $0x90000046  }
0xb3: {  	s29 =	simm.s32 $0x9;
	_ =	strace $0x80000048  }
0xb4: {  	_ =	swait.ge [sflag:s29], $0x1  }
0xb5: {  	[sflag:s29] =	ssyncadd.s32 $0xFFFFFFFF  }
0xb6: {  	_ =	strace $0x90000048  }
0xb7: {  	_ =	sfence  }
0xb8: {  	s30 =	sld [smem:$0x0];
	_ =	sdelay $0x2  }
0xb9: {  	s31 =	sshll.u32 s1, $0xD;
	s1 =	sshrl.u32 s1, $0x2  }
0xba: {  	s3 =	sand.u32 $0x4000, s31;
	s1 =	sadd.s32 s1, s30  }
0xbb: {  	s0 =	sor.u32 s3, s0;
	s1 =	sshll.u32 s1, $0x11  }
0xbc: {  	s0 =	sor.u32 s1, s0  }
0xbd: {  	s0 =	sadd.s32 $0x8F2B, s0  }
0xbe: {  	[sflag:s0] =	ssyncadd.remote.s32 $0x1  }
0xbf: {  	_ =	sfence.sel $0xFFFF  }
0xc0: {  	[dreg:$0x0] =	wrdreg $0xFFFFFFFF;
	(pc) =	sbr.abs _section_cstart, $3  }
0xc1: {  	[dreg:$0x1] =	wrdreg $0xFFFFFFFF  }
0xc2: {  	_ =	task.clear_ibuf [dreg:s7], $0x2FFFF;
	_ =	strace $0x9FFFFFFF  }
0xc3: {  	(tm) =	ssettm $0x7FFFFFFF  }
tec
execute0_lowered:
.L_overlay_start_1:
0x0: {  	(tag) =	ssettag $0x1  }
0x1: {  	s1 =	rddreg [dreg:$0x0]  }
0x2: {  	s0 =	rddreg [dreg:$0x1]  }
0x3: {  	s2 =	rddreg [dreg:$0x2]  }
0x4: {  	s3 =	simm.s32 $0x0;
	s22 =	srdreg.scid;
	s13 =	stileid.u32  }
0x5: {  	s18 =	simm.s32 $0x5;
	s20 =	simm.s32 $0x50;
	s21 =	simm.s32 $0x200  }
0x6: {  	s28 =	simm.s32 $0x2A00;
	s29 =	simm.s32 $0x3;
	s30 =	simm.s32 $0x4  }
0x7: {  	s31 =	simm.s32 $0x0;
	[smem:$0x7FF] =	sst s3;
	s3 =	sand.u32 $0x1, s22  }
0x8: {  	s5 =	sadd.s32 $0x9E6400, s0;
	s6 =	sadd.s32 $0x9C7000, s0;
	s11 =	smul.u32 $0x32000, s13  }
0x9: {  	s8 =	sadd.s32 $0x3000, s0;
	s23 =	sor.u32 $0x10, s13;
	s25 =	smul.u32 $0x1900, s13  }
0xa: {  	s22 =	simm.s32 $0x1;
	_ =	strace $0x80000047;
	s7 =	smul.u32 $0x27100, s3  }
0xb: {  	s4 =	sshll.u32 s3, $0x4;
	s3 =	ssub.s32 $0x2, s3;
	s12 =	smul.u32 $0x32000, s23  }
0xc: {  	s16 =	smul.u32 $0x1900, s23;
	p0 =	sgt.u32 s23, $0x18;
	s23 =	simm.s32 $0x5200  }
0xd: {  	s4 =	sor.u32 s13, s4;
	s10 =	sshrl.u32 s3, $0x1;
	s11 =	sshrl.u32 s11, $0x2  }
0xe: {  	s13 =	sshll.u32 s13, $0x6;
	s26 =	sadd.s32 s8, s25;
	s9 =	smul.u32 $0xFA0, s4  }
0xf: {  	s0 =	sadd.s32 s7, s0;
	s7 =	smul.u32 $0x7D, s4;
	s3 =	ssub.s32 s3, s10  }
0x10: {  	s24 =	sadd.s32 s11, s2;
	s14 =	sshrl.u32 s12, $0x2;
	[dreg:$0x6] =	wrdreg s26  }
0x11: {  	s13 =	sor.u32 $0x1C05, s13;
	s26 =	simm.s32 $0x180;
	s0 =	sadd.s32 $0x2A200, s0  }
.Ltmp0:
0x12: {  	s3 =	smax.u32 s3, $0x1;
	s19 =	sadd.s32 s14, s2;
	(pc) =	sbr.rel .LBB2_1-.Ltmp0, $4  }
0x13: {  	s14 =	sadd.s32 s8, s16;
	s17 =	sshrl.u32 s24, $0x3;
	s24 =	simm.s32 $0x80  }
0x14: {  	s9 =	sadd.s32 s6, s9;
	s10 =	sadd.s32 $0x2, s7;
	[dreg:$0x5] =	wrdreg s3  }
0x15: {  	s15 =	sadd.s32 s0, s25;
	s16 =	sadd.s32 s0, s16;
	s19 =	sshrl.u32 @!p0 s19, $0x3  }
0x16: {  	s25 =	simm.s32 $0x2;
	[dreg:$0x4] =	wrdreg s9;
	s9 =	smul.u32 $0x2710, s4  }
.LBB2_9:
0x17: {  	_ =	swait.ge [sflag:s29], $0x2800  }
0x18: {  	[sflag:s29] =	ssyncset.done $0x0  }
0x19: {  	[sflag:s29] =	ssyncadd.s32 $0xFFFFD800  }
0x1a: {  	_ =	swait.ge [sflag:s30], $0x2800  }
0x1b: {  	[sflag:s30] =	ssyncset.done $0x0  }
0x1c: {  	[sflag:s30] =	ssyncadd.s32 $0xFFFFD800  }
0x1d: {  	[bflag:$0x0] =	sbarrier.arrive $0xFFFF  }
0x1e: {  	[hbm:s15], [sflag:s13] =	dma.local [spmem:s17], $0x1900  }
0x1f: {  	_ =	swait.ge [sflag:s18], $0x1900  }
0x20: {  	[sflag:s18] =	ssyncset.done $0x0  }
0x21: {  	s0 =	simm.s32 @!p0 $0x5;
	[sflag:s18] =	ssyncadd.s32 $0xFFFFE700  }
0x22: {  	[hbm:s16], [sflag:s13] =	dma.local @!p0 [spmem:s19], $0x1900  }
0x23: {  	_ =	swait.ge @!p0 [sflag:s0], $0x1900  }
0x24: {  	s31 =	sadd.s32 $0x1, s31;
	s3 =	rddreg [dreg:$0x5]  }
0x25: {  	p1 =	sne.s32 s31, s3  }
.Ltmp1:
0x26: {  	_ = 	snop;
	(pc) =	sbr.rel @!p1 .LBB2_10-.Ltmp1, $3  }
0x27: {  	_ =	sdelay $0x1  }
0x28: {  	[sflag:s0] =	ssyncset.done @!p0 $0x0  }
0x29: {  	[sflag:s0] =	ssyncadd.s32 @!p0 $0xFFFFE700  }
.LBB2_1:
0x2a: {  	s0 =	rddreg [dreg:$0x6]  }
0x2b: {  	[spmem:s17], [sflag:s13] =	dma.local [hbm:s0], $0x1900  }
0x2c: {  	_ =	swait.ge [sflag:s18], $0x1900  }
0x2d: {  	[sflag:s18] =	ssyncset.done $0x0  }
0x2e: {  	s0 =	simm.s32 @!p0 $0x5;
	[sflag:s18] =	ssyncadd.s32 $0xFFFFE700  }
0x2f: {  	[spmem:s19], [sflag:s13] =	dma.local @!p0 [hbm:s14], $0x1900  }
0x30: {  	_ =	swait.ge @!p0 [sflag:s0], $0x1900  }
0x31: {  	[sflag:s0] =	ssyncset.done @!p0 $0x0  }
0x32: {  	[sflag:s0] =	ssyncadd.s32 @!p0 $0xFFFFE700  }
0x33: {  	[bflag:$0x0] =	sbarrier.arrive $0xFFFF  }
0x34: {  	s12 =	simm.s32 $0x0;
	s3 =	rddreg [dreg:$0x4]  }
0x35: {  	[tilespmem:s12], [sflag:$0x5] =	stream.linear.gather [hbm4b:s3+s12], $0x100, $0x38;
	[tilespmem:$0x1B280] =	vst v63  }
.Ltmp2:
0x36: {  	_ = 	snop;
	(pc) =	sbr.rel .LBB2_2-.Ltmp2, $4  }
0x37: {  	_ =	swait.ge [sflag:s18], $0x100  }
0x38: {  	[sflag:s18] =	ssyncset.done $0x0  }
0x39: {  	s0 =	simm.s32 $0x0;
	[sflag:s18] =	ssyncadd.s32 $0xFFFFFF00  }
0x3a: {  	[tilespmem:s21], [sflag:$0x1] =	stream.indirect.gather [hbm4b:s1+s20], $0x80, s12, s20, $0xb8;
	[tilespmem:$0x1B280] =	vst v63  }
.LBB2_8:
0x3b: {  	s0 =	sadd.s32 $0x1, s0  }
0x3c: {  	p1 =	sne.s32 s0, $0x3F  }
.Ltmp3:
0x3d: {  	_ = 	snop;
	(pc) =	sbr.rel @!p1 .LBB2_9-.Ltmp3, $1  }
0x3e: {  	_ =	sdelay $0x3  }
.LBB2_2:
0x3f: {  	s4 =	sshllo.u32 s0, $0x1  }
0x40: {  	p1 =	sgt.u32 s4, $0x7C  }
0x41: {  	p2 =	seq.s32 @!p1 s0, $0x0  }
0x42: {  	p2 =	por p2, p1  }
0x43: {  	s3 =	simm.s32 @!p2 $0x4  }
0x44: {  	s8 =	sadd.s32 @!p1 s7, s4;
	_ =	swait.ge @!p2 [sflag:s3], $0x2800  }
0x45: {  	s8 =	sshll.u32 @!p1 s8, $0x5;
	[sflag:s3] =	ssyncset.done @!p2 $0x0  }
0x46: {  	[sflag:s3] =	ssyncadd.s32 @!p2 $0xFFFFD800;
	s3 =	sand.u32 @!p1 $0x1FFFFFE0, s8  }
0x47: {  	s11 =	simm.s32 @!p1 $0x100;
	s8 =	simm.s32 @!p1 $0x0;
	s3 =	sadd.s32 @!p1 s6, s3  }
0x48: {  	[tilespmem:s11], [sflag:$0x5] =	stream.linear.gather @!p1 [hbm4b:s3+s8], $0x100, $0x38;
	[tilespmem:$0x1B280] =	vst v63  }
0x49: {  	s3 =	simm.s32 @!p1 $0x5  }
0x4a: {  	_ =	swait.ge @!p1 [sflag:s3], $0x100  }
0x4b: {  	s12 =	smul.u32 $0xA0, s0;
	[sflag:s3] =	ssyncset.done @!p1 $0x0  }
0x4c: {  	s8 =	simm.s32 @!p1 $0x2A00;
	[sflag:s3] =	ssyncadd.s32 @!p1 $0xFFFFFF00;
	s3 =	simm.s32 @!p1 $0x50  }
0x4d: {  	[tilespmem:s8], [sflag:$0x2] =	stream.indirect.gather @!p1 [hbm4b:s1+s3], $0x80, s11, s3, $0xb8;
	[tilespmem:$0x1B280] =	vst v63  }
0x4e: {  	s11 =	sadd.s32 s9, s12;
	_ =	swait.ge [sflag:s22], $0x2800  }
0x4f: {  	s3 =	sshll.u32 s11, $0x4;
	[sflag:s22] =	ssyncset.done $0x0  }
0x50: {  	s12 =	simm.s32 $0x0;
	s3 =	sadd.s32 s5, s3;
	[sflag:s22] =	ssyncadd.s32 $0xFFFFD800  }
0x51: {  	[tilespmem:s23], [sflag:$0x5] =	stream.linear.gather [hbm4b:s3+s12], $0x2800, $0x38;
	[tilespmem:$0x1B280] =	vst v63  }
0x52: {  	_ =	swait.ge [sflag:s18], $0x2800  }
0x53: {  	[sflag:s18] =	ssyncset.done $0x0  }
0x54: {  	s3 =	simm.s32 $0x0;
	[sflag:s18] =	ssyncadd.s32 $0xFFFFD800  }
0x55: {  	v6 =	vld [tilespmem:s3+$0x5200]  }
0x56: {  	v7 =	vld [tilespmem:s3+$0x5210]  }
0x57: {  	v8 =	vld [tilespmem:s3+$0x5220]  }
0x58: {  	v9 =	vld [tilespmem:s3+$0x5230]  }
0x59: {  	v10 =	vld [tilespmem:s3+$0x5240]  }
0x5a: {  	v11 =	vld [tilespmem:s3+$0x5250]  }
0x5b: {  	v12 =	vld [tilespmem:s3+$0x5260]  }
0x5c: {  	v13 =	vld [tilespmem:s3+$0x5270]  }
0x5d: {  	v14 =	vld [tilespmem:s3+$0x5280]  }
0x5e: {  	v15 =	vld [tilespmem:s3+$0x5290]  }
0x5f: {  	v16 =	vld [tilespmem:s3+$0x52A0]  }
0x60: {  	v17 =	vld [tilespmem:s3+$0x52B0]  }
0x61: {  	v18 =	vld [tilespmem:s3+$0x52C0]  }
0x62: {  	v19 =	vld [tilespmem:s3+$0x52D0]  }
0x63: {  	v20 =	vld [tilespmem:s3+$0x52E0]  }
0x64: {  	v21 =	vld [tilespmem:s3+$0x52F0]  }
0x65: {  	v22 =	vld [tilespmem:s3+$0x5300]  }
0x66: {  	v23 =	vld [tilespmem:s3+$0x5310]  }
0x67: {  	v24 =	vld [tilespmem:s3+$0x5320]  }
0x68: {  	v25 =	vld [tilespmem:s3+$0x5330]  }
0x69: {  	v26 =	vld [tilespmem:s3+$0x5340]  }
0x6a: {  	v27 =	vld [tilespmem:s3+$0x5350]  }
0x6b: {  	v28 =	vld [tilespmem:s3+$0x5360]  }
0x6c: {  	v29 =	vld [tilespmem:s3+$0x5370]  }
0x6d: {  	v30 =	vld [tilespmem:s3+$0x5380]  }
0x6e: {  	v31 =	vld [tilespmem:s3+$0x5390]  }
0x6f: {  	v5 =	vld [tilespmem:s3+$0x53A0]  }
0x70: {  	v4 =	vld [tilespmem:s3+$0x53B0]  }
0x71: {  	v3 =	vld [tilespmem:s3+$0x53C0]  }
0x72: {  	v2 =	vld [tilespmem:s3+$0x53D0]  }
0x73: {  	v1 =	vld [tilespmem:s3+$0x53E0]  }
0x74: {  	v32 =	vld [tilespmem:s3+$0x200]  }
0x75: {  	v33 =	vld [tilespmem:s3+$0x210]  }
0x76: {  	v34 =	vld [tilespmem:s3+$0x220]  }
0x77: {  	v35 =	vld [tilespmem:s3+$0x230]  }
0x78: {  	v36 =	vld [tilespmem:s3+$0x240]  }
0x79: {  	v63 =	vld [tilespmem:s3+$0x250];
	v6 =	vmul.f32 v6, v32  }
0x7a: {  	v37 =	vld [tilespmem:s3+$0x260];
	v7 =	vmul.f32 v7, v33  }
0x7b: {  	v8 =	vmul.f32 v8, v34;
	[tilespmem:s3+$0x200] =	vst v6;
	v6 =	vld [tilespmem:s3+$0x270]  }
0x7c: {  	v9 =	vmul.f32 v9, v35;
	[tilespmem:s3+$0x210] =	vst v7;
	v7 =	vld [tilespmem:s3+$0x280]  }
0x7d: {  	v10 =	vmul.f32 v10, v36;
	[tilespmem:s3+$0x220] =	vst v8;
	v8 =	vld [tilespmem:s3+$0x290]  }
0x7e: {  	v11 =	vmul.f32 v11, v63;
	[tilespmem:s3+$0x230] =	vst v9;
	v9 =	vld [tilespmem:s3+$0x2A0]  }
0x7f: {  	v12 =	vmul.f32 v12, v37;
	[tilespmem:s3+$0x240] =	vst v10;
	v10 =	vld [tilespmem:s3+$0x2B0]  }
0x80: {  	[tilespmem:s3+$0x250] =	vst v11;
	v11 =	vld [tilespmem:s3+$0x2C0];
	v6 =	vmul.f32 v13, v6  }
0x81: {  	[tilespmem:s3+$0x260] =	vst v12;
	v12 =	vld [tilespmem:s3+$0x2D0];
	v7 =	vmul.f32 v14, v7  }
0x82: {  	v8 =	vmul.f32 v15, v8;
	[tilespmem:s3+$0x270] =	vst v6;
	v6 =	vld [tilespmem:s3+$0x2E0]  }
0x83: {  	v9 =	vmul.f32 v16, v9;
	[tilespmem:s3+$0x280] =	vst v7;
	v7 =	vld [tilespmem:s3+$0x2F0]  }
0x84: {  	v10 =	vmul.f32 v17, v10;
	[tilespmem:s3+$0x290] =	vst v8;
	v8 =	vld [tilespmem:s3+$0x300]  }
0x85: {  	v11 =	vmul.f32 v18, v11;
	[tilespmem:s3+$0x2A0] =	vst v9;
	v9 =	vld [tilespmem:s3+$0x310]  }
0x86: {  	v12 =	vmul.f32 v19, v12;
	[tilespmem:s3+$0x2B0] =	vst v10;
	v10 =	vld [tilespmem:s3+$0x320]  }
0x87: {  	[tilespmem:s3+$0x2C0] =	vst v11;
	v11 =	vld [tilespmem:s3+$0x330];
	v6 =	vmul.f32 v20, v6  }
0x88: {  	[tilespmem:s3+$0x2D0] =	vst v12;
	v12 =	vld [tilespmem:s3+$0x340]  }
0x89: {  	v7 =	vmul.f32 v21, v7;
	[tilespmem:s3+$0x2E0] =	vst v6;
	v6 =	vld [tilespmem:s3+$0x350]  }
0x8a: {  	v0 =	vld [tilespmem:s3+$0x53F0];
	v8 =	vmul.f32 v22, v8  }
0x8b: {  	[tilespmem:s3+$0x2F0] =	vst v7;
	v7 =	vmul.f32 v23, v9;
	v9 =	vld [tilespmem:s3+$0x370]  }
0x8c: {  	v13 =	vld [tilespmem:s3+$0x360];
	[tilespmem:s3+$0x300] =	vst v8;
	v8 =	vmul.f32 v24, v10  }
0x8d: {  	v10 =	vld [tilespmem:s3+$0x380];
	[tilespmem:s3+$0x310] =	vst v7;
	v7 =	vmul.f32 v25, v11  }
0x8e: {  	[tilespmem:s3+$0x320] =	vst v8;
	v11 =	vld [tilespmem:s3+$0x390];
	v8 =	vmul.f32 v26, v12;
	v12 =	vmul.f32 v27, v6  }
0x8f: {  	[tilespmem:s3+$0x330] =	vst v7;
	v7 =	vld [tilespmem:s3+$0x3A0]  }
0x90: {  	v6 =	vld [tilespmem:s3+$0x3B0];
	[tilespmem:s3+$0x350] =	vst v12;
	v12 =	vmul.f32 v29, v9  }
0x91: {  	v13 =	vmul.f32 v28, v13;
	[tilespmem:s3+$0x340] =	vst v8;
	v8 =	vld [tilespmem:s3+$0x3C0]  }
0x92: {  	v9 =	vld [tilespmem:s3+$0x3D0];
	[tilespmem:s3+$0x370] =	vst v12;
	v12 =	vmul.f32 v30, v10  }
0x93: {  	s8 =	sshll.u32 s0, $0x1;
	s11 =	simm.s32 $0x800;
	[tilespmem:s3+$0x360] =	vst v13;
	v11 =	vmul.f32 v31, v11;
	v10 =	vld [tilespmem:s3+$0x3E0]  }
.LBB2_3:
0x94: {  	s12 =	sshra.s32 s11, $0x2;
	p2 =	sne.s32 s11, $0x9800;
	[tilespmem:s3+$0x380] =	vst v12;
	v5 =	vmul.f32 v5, v7;
	v7 =	vld [tilespmem:s3+$0x3F0]  }
0x95: {  	v12 =	vld [tilespmem:s12+$0x5200];
	[tilespmem:s3+$0x390] =	vst v11;
	v4 =	vmul.f32 v4, v6  }
0x96: {  	v6 =	vld [tilespmem:s12+$0x5210];
	[tilespmem:s3+$0x3A0] =	vst v5;
	v3 =	vmul.f32 v3, v8  }
0x97: {  	v8 =	vld [tilespmem:s12+$0x5220];
	[tilespmem:s3+$0x3B0] =	vst v4;
	v2 =	vmul.f32 v2, v9  }
0x98: {  	v9 =	vld [tilespmem:s12+$0x5230];
	[tilespmem:s3+$0x3C0] =	vst v3;
	v1 =	vmul.f32 v1, v10  }
0x99: {  	v10 =	vld [tilespmem:s12+$0x5240];
	[tilespmem:s3+$0x3D0] =	vst v2;
	v0 =	vmul.f32 v0, v7  }
0x9a: {  	v7 =	vld [tilespmem:s12+$0x5250];
	[tilespmem:s3+$0x3E0] =	vst v1  }
0x9b: {  	v11 =	vld [tilespmem:s12+$0x5260];
	[tilespmem:s3+$0x3F0] =	vst v0;
	s3 =	smov.u32 s12  }
0x9c: {  	v13 =	vld [tilespmem:s3+$0x5270]  }
0x9d: {  	v14 =	vld [tilespmem:s3+$0x5280]  }
0x9e: {  	v15 =	vld [tilespmem:s3+$0x5290]  }
0x9f: {  	v16 =	vld [tilespmem:s3+$0x52A0]  }
0xa0: {  	v17 =	vld [tilespmem:s3+$0x52B0]  }
0xa1: {  	v18 =	vld [tilespmem:s3+$0x52C0]  }
0xa2: {  	v19 =	vld [tilespmem:s3+$0x52D0]  }
0xa3: {  	v20 =	vld [tilespmem:s3+$0x52E0]  }
0xa4: {  	v21 =	vld [tilespmem:s3+$0x52F0]  }
0xa5: {  	v22 =	vld [tilespmem:s3+$0x5300]  }
0xa6: {  	v23 =	vld [tilespmem:s3+$0x5310]  }
0xa7: {  	v24 =	vld [tilespmem:s3+$0x5320]  }
0xa8: {  	v25 =	vld [tilespmem:s3+$0x5330]  }
0xa9: {  	v26 =	vld [tilespmem:s3+$0x5340]  }
0xaa: {  	v27 =	vld [tilespmem:s3+$0x5350]  }
0xab: {  	v28 =	vld [tilespmem:s3+$0x5360]  }
0xac: {  	v29 =	vld [tilespmem:s3+$0x5370]  }
0xad: {  	v30 =	vld [tilespmem:s3+$0x5380]  }
0xae: {  	v31 =	vld [tilespmem:s3+$0x5390]  }
0xaf: {  	v5 =	vld [tilespmem:s3+$0x53A0]  }
0xb0: {  	v4 =	vld [tilespmem:s3+$0x53B0]  }
0xb1: {  	v3 =	vld [tilespmem:s3+$0x53C0]  }
0xb2: {  	v2 =	vld [tilespmem:s3+$0x53D0]  }
0xb3: {  	v1 =	vld [tilespmem:s3+$0x53E0]  }
0xb4: {  	v0 =	vld [tilespmem:s3+$0x53F0]  }
0xb5: {  	v32 =	vld [tilespmem:s3+$0x200]  }
0xb6: {  	v33 =	vld [tilespmem:s3+$0x210]  }
0xb7: {  	v34 =	vld [tilespmem:s3+$0x220]  }
0xb8: {  	v35 =	vld [tilespmem:s3+$0x230]  }
0xb9: {  	v36 =	vld [tilespmem:s3+$0x240]  }
0xba: {  	v12 =	vmul.f32 v12, v32;
	v32 =	vld [tilespmem:s3+$0x250]  }
0xbb: {  	v6 =	vmul.f32 v6, v33;
	v33 =	vld [tilespmem:s3+$0x260]  }
0xbc: {  	[tilespmem:s3+$0x200] =	vst v12;
	v8 =	vmul.f32 v8, v34;
	v12 =	vld [tilespmem:s3+$0x270]  }
0xbd: {  	[tilespmem:s3+$0x210] =	vst v6;
	v6 =	vmul.f32 v9, v35;
	v9 =	vld [tilespmem:s3+$0x280]  }
0xbe: {  	[tilespmem:s3+$0x220] =	vst v8;
	v8 =	vmul.f32 v10, v36;
	v10 =	vld [tilespmem:s3+$0x290]  }
0xbf: {  	[tilespmem:s3+$0x230] =	vst v6;
	v6 =	vmul.f32 v7, v32;
	v7 =	vld [tilespmem:s3+$0x2A0]  }
0xc0: {  	[tilespmem:s3+$0x240] =	vst v8;
	v8 =	vmul.f32 v11, v33;
	v11 =	vld [tilespmem:s3+$0x2B0]  }
0xc1: {  	[tilespmem:s3+$0x250] =	vst v6;
	v6 =	vmul.f32 v13, v12;
	v12 =	vld [tilespmem:s3+$0x2C0]  }
0xc2: {  	[tilespmem:s3+$0x260] =	vst v8;
	v8 =	vmul.f32 v14, v9;
	v9 =	vld [tilespmem:s3+$0x2D0]  }
0xc3: {  	[tilespmem:s3+$0x270] =	vst v6;
	v6 =	vmul.f32 v15, v10;
	v10 =	vld [tilespmem:s3+$0x2E0]  }
0xc4: {  	[tilespmem:s3+$0x280] =	vst v8;
	v7 =	vmul.f32 v16, v7;
	v8 =	vld [tilespmem:s3+$0x2F0]  }
0xc5: {  	[tilespmem:s3+$0x290] =	vst v6;
	v6 =	vmul.f32 v17, v11;
	v11 =	vld [tilespmem:s3+$0x300]  }
0xc6: {  	[tilespmem:s3+$0x2A0] =	vst v7;
	v7 =	vmul.f32 v18, v12;
	v12 =	vld [tilespmem:s3+$0x310]  }
0xc7: {  	[tilespmem:s3+$0x2B0] =	vst v6;
	v6 =	vmul.f32 v19, v9;
	v9 =	vld [tilespmem:s3+$0x320]  }
0xc8: {  	[tilespmem:s3+$0x2C0] =	vst v7;
	v7 =	vmul.f32 v20, v10;
	v10 =	vld [tilespmem:s3+$0x330]  }
0xc9: {  	[tilespmem:s3+$0x2D0] =	vst v6;
	v6 =	vmul.f32 v21, v8;
	v8 =	vld [tilespmem:s3+$0x340]  }
0xca: {  	[tilespmem:s3+$0x2E0] =	vst v7;
	v7 =	vmul.f32 v22, v11;
	v11 =	vld [tilespmem:s3+$0x350]  }
0xcb: {  	[tilespmem:s3+$0x2F0] =	vst v6;
	v6 =	vmul.f32 v23, v12;
	v12 =	vld [tilespmem:s3+$0x360]  }
0xcc: {  	[tilespmem:s3+$0x300] =	vst v7;
	v7 =	vmul.f32 v24, v9;
	v9 =	vld [tilespmem:s3+$0x370]  }
0xcd: {  	[tilespmem:s3+$0x310] =	vst v6;
	v6 =	vmul.f32 v25, v10;
	v10 =	vld [tilespmem:s3+$0x380]  }
0xce: {  	[tilespmem:s3+$0x320] =	vst v7;
	v8 =	vmul.f32 v26, v8;
	v13 =	vld [tilespmem:s3+$0x390]  }
.Ltmp4:
0xcf: {  	[tilespmem:s3+$0x330] =	vst v6;
	v11 =	vmul.f32 v27, v11;
	v7 =	vld [tilespmem:s3+$0x3A0];
	(pc) =	sbr.rel @p2 .LBB2_3-.Ltmp4, $4  }
0xd0: {  	[tilespmem:s3+$0x340] =	vst v8;
	v12 =	vmul.f32 v28, v12;
	v6 =	vld [tilespmem:s3+$0x3B0]  }
0xd1: {  	[tilespmem:s3+$0x350] =	vst v11;
	v11 =	vmul.f32 v29, v9;
	v8 =	vld [tilespmem:s3+$0x3C0]  }
0xd2: {  	[tilespmem:s3+$0x360] =	vst v12;
	v12 =	vmul.f32 v30, v10;
	v9 =	vld [tilespmem:s3+$0x3D0]  }
0xd3: {  	s11 =	sadd.s32 $0x800, s11;
	[tilespmem:s3+$0x370] =	vst v11;
	v11 =	vmul.f32 v31, v13;
	v10 =	vld [tilespmem:s3+$0x3E0]  }
0xd4: {  	[tilespmem:s3+$0x380] =	vst v12;
	v5 =	vmul.f32 v5, v7;
	v63 =	vld [tilespmem:s3+$0x3F0]  }
0xd5: {  	[tilespmem:s3+$0x390] =	vst v11;
	v4 =	vmul.f32 v4, v6  }
0xd6: {  	[tilespmem:s3+$0x3A0] =	vst v5;
	v3 =	vmul.f32 v3, v8  }
0xd7: {  	[tilespmem:s3+$0x3B0] =	vst v4;
	v2 =	vmul.f32 v2, v9  }
0xd8: {  	[tilespmem:s3+$0x3C0] =	vst v3;
	v1 =	vmul.f32 v1, v10  }
0xd9: {  	[tilespmem:s3+$0x3D0] =	vst v2;
	v0 =	vmul.f32 v0, v63  }
0xda: {  	p2 =	seq.s32 s0, $0x3E;
	[tilespmem:s3+$0x3E0] =	vst v1  }
0xdb: {  	s8 =	sadd.s32 @!p2 s8, s10;
	[tilespmem:s3+$0x3F0] =	vst v0;
	s3 =	simm.s32 @!p2 $0x3  }
0xdc: {  	[spmem:s2] =	stream.indirect.scatter.add.f32 [tilespmem:s21], [sflag:$0x3], $0x80, s24, s20, $0xb8;
	[tilespmem:$0x1B280] =	vst v63  }
0xdd: {  	s8 =	sshll.u32 @!p2 s8, $0x5;
	_ =	swait.ge @!p2 [sflag:s3], $0x2800  }
0xde: {  	s8 =	sand.u32 @!p2 $0x1FFFFFE0, s8;
	[sflag:s3] =	ssyncset.done @!p2 $0x0  }
0xdf: {  	[sflag:s3] =	ssyncadd.s32 @!p2 $0xFFFFD800;
	s3 =	sadd.s32 @!p2 s6, s8;
	s8 =	simm.s32 @!p2 $0x0  }
0xe0: {  	[tilespmem:s8], [sflag:$0x5] =	stream.linear.gather @!p2 [hbm4b:s3+s8], $0x100, $0x38;
	[tilespmem:$0x1B280] =	vst v63  }
.Ltmp5:
0xe1: {  	s3 =	simm.s32 @!p2 $0x5;
	(pc) =	sbr.rel @p1 .LBB2_8-.Ltmp5, $4  }
0xe2: {  	_ =	swait.ge @!p2 [sflag:s3], $0x100  }
0xe3: {  	[sflag:s3] =	ssyncset.done @!p2 $0x0  }
0xe4: {  	s11 =	simm.s32 @!p2 $0x200;
	[sflag:s3] =	ssyncadd.s32 @!p2 $0xFFFFFF00;
	s3 =	simm.s32 @!p2 $0x50  }
0xe5: {  	[tilespmem:s11], [sflag:$0x1] =	stream.indirect.gather @!p2 [hbm4b:s1+s3], $0x80, s8, s3, $0xb8;
	[tilespmem:$0x1B280] =	vst v63  }
0xe6: {  	s3 =	smul.u32 $0x50, s4;
	_ =	sdelay $0x1  }
0xe7: {  	_ =	swait.ge [sflag:s25], $0x2800;
	s3 =	sadd.s32 s9, s3  }
0xe8: {  	[sflag:s25] =	ssyncset.done $0x0;
	s3 =	sshll.u32 s3, $0x4  }
0xe9: {  	s12 =	simm.s32 $0x0;
	[sflag:s25] =	ssyncadd.s32 $0xFFFFD800;
	s3 =	sadd.s32 s5, s3  }
0xea: {  	[tilespmem:s23], [sflag:$0x5] =	stream.linear.gather [hbm4b:s3+s12], $0x2800, $0x38;
	[tilespmem:$0x1B280] =	vst v63  }
0xeb: {  	_ =	swait.ge [sflag:s18], $0x2800  }
0xec: {  	[sflag:s18] =	ssyncset.done $0x0  }
0xed: {  	s3 =	simm.s32 $0x0;
	[sflag:s18] =	ssyncadd.s32 $0xFFFFD800  }
0xee: {  	v6 =	vld [tilespmem:s3+$0x5200]  }
0xef: {  	v7 =	vld [tilespmem:s3+$0x5210]  }
0xf0: {  	v8 =	vld [tilespmem:s3+$0x5220]  }
0xf1: {  	v9 =	vld [tilespmem:s3+$0x5230]  }
0xf2: {  	v10 =	vld [tilespmem:s3+$0x5240]  }
0xf3: {  	v11 =	vld [tilespmem:s3+$0x5250]  }
0xf4: {  	v12 =	vld [tilespmem:s3+$0x5260]  }
0xf5: {  	v13 =	vld [tilespmem:s3+$0x5270]  }
0xf6: {  	v14 =	vld [tilespmem:s3+$0x5280]  }
0xf7: {  	v15 =	vld [tilespmem:s3+$0x5290]  }
0xf8: {  	v16 =	vld [tilespmem:s3+$0x52A0]  }
0xf9: {  	v17 =	vld [tilespmem:s3+$0x52B0]  }
0xfa: {  	v18 =	vld [tilespmem:s3+$0x52C0]  }
0xfb: {  	v19 =	vld [tilespmem:s3+$0x52D0]  }
0xfc: {  	v20 =	vld [tilespmem:s3+$0x52E0]  }
0xfd: {  	v21 =	vld [tilespmem:s3+$0x52F0]  }
0xfe: {  	v22 =	vld [tilespmem:s3+$0x5300]  }
0xff: {  	v23 =	vld [tilespmem:s3+$0x5310]  }
0x100: {  	v24 =	vld [tilespmem:s3+$0x5320]  }
0x101: {  	v25 =	vld [tilespmem:s3+$0x5330]  }
0x102: {  	v26 =	vld [tilespmem:s3+$0x5340]  }
0x103: {  	v27 =	vld [tilespmem:s3+$0x5350]  }
0x104: {  	v28 =	vld [tilespmem:s3+$0x5360]  }
0x105: {  	v29 =	vld [tilespmem:s3+$0x5370]  }
0x106: {  	v30 =	vld [tilespmem:s3+$0x5380]  }
0x107: {  	v31 =	vld [tilespmem:s3+$0x5390]  }
0x108: {  	v5 =	vld [tilespmem:s3+$0x53A0]  }
0x109: {  	v4 =	vld [tilespmem:s3+$0x53B0]  }
0x10a: {  	v3 =	vld [tilespmem:s3+$0x53C0]  }
0x10b: {  	v2 =	vld [tilespmem:s3+$0x53D0]  }
0x10c: {  	v1 =	vld [tilespmem:s3+$0x53E0]  }
0x10d: {  	v32 =	vld [tilespmem:s3+$0x2A00]  }
0x10e: {  	v33 =	vld [tilespmem:s3+$0x2A10]  }
0x10f: {  	v34 =	vld [tilespmem:s3+$0x2A20]  }
0x110: {  	v35 =	vld [tilespmem:s3+$0x2A30]  }
0x111: {  	v36 =	vld [tilespmem:s3+$0x2A40]  }
0x112: {  	v63 =	vld [tilespmem:s3+$0x2A50];
	v6 =	vmul.f32 v6, v32  }
0x113: {  	v37 =	vld [tilespmem:s3+$0x2A60];
	v7 =	vmul.f32 v7, v33  }
0x114: {  	v8 =	vmul.f32 v8, v34;
	[tilespmem:s3+$0x2A00] =	vst v6;
	v6 =	vld [tilespmem:s3+$0x2A70]  }
0x115: {  	v9 =	vmul.f32 v9, v35;
	[tilespmem:s3+$0x2A10] =	vst v7;
	v7 =	vld [tilespmem:s3+$0x2A80]  }
0x116: {  	v10 =	vmul.f32 v10, v36;
	[tilespmem:s3+$0x2A20] =	vst v8;
	v8 =	vld [tilespmem:s3+$0x2A90]  }
0x117: {  	v11 =	vmul.f32 v11, v63;
	[tilespmem:s3+$0x2A30] =	vst v9;
	v9 =	vld [tilespmem:s3+$0x2AA0]  }
0x118: {  	v12 =	vmul.f32 v12, v37;
	[tilespmem:s3+$0x2A40] =	vst v10;
	v10 =	vld [tilespmem:s3+$0x2AB0]  }
0x119: {  	[tilespmem:s3+$0x2A50] =	vst v11;
	v11 =	vld [tilespmem:s3+$0x2AC0];
	v6 =	vmul.f32 v13, v6  }
0x11a: {  	[tilespmem:s3+$0x2A60] =	vst v12;
	v12 =	vld [tilespmem:s3+$0x2AD0];
	v7 =	vmul.f32 v14, v7  }
0x11b: {  	v8 =	vmul.f32 v15, v8;
	[tilespmem:s3+$0x2A70] =	vst v6;
	v6 =	vld [tilespmem:s3+$0x2AE0]  }
0x11c: {  	v9 =	vmul.f32 v16, v9;
	[tilespmem:s3+$0x2A80] =	vst v7;
	v7 =	vld [tilespmem:s3+$0x2AF0]  }
0x11d: {  	v10 =	vmul.f32 v17, v10;
	[tilespmem:s3+$0x2A90] =	vst v8;
	v8 =	vld [tilespmem:s3+$0x2B00]  }
0x11e: {  	v11 =	vmul.f32 v18, v11;
	[tilespmem:s3+$0x2AA0] =	vst v9;
	v9 =	vld [tilespmem:s3+$0x2B10]  }
0x11f: {  	v12 =	vmul.f32 v19, v12;
	[tilespmem:s3+$0x2AB0] =	vst v10;
	v10 =	vld [tilespmem:s3+$0x2B20]  }
0x120: {  	[tilespmem:s3+$0x2AC0] =	vst v11;
	v11 =	vld [tilespmem:s3+$0x2B30];
	v6 =	vmul.f32 v20, v6  }
0x121: {  	[tilespmem:s3+$0x2AD0] =	vst v12;
	v12 =	vld [tilespmem:s3+$0x2B40]  }
0x122: {  	v7 =	vmul.f32 v21, v7;
	[tilespmem:s3+$0x2AE0] =	vst v6;
	v6 =	vld [tilespmem:s3+$0x2B50]  }
0x123: {  	v0 =	vld [tilespmem:s3+$0x53F0];
	v8 =	vmul.f32 v22, v8  }
0x124: {  	[tilespmem:s3+$0x2AF0] =	vst v7;
	v7 =	vmul.f32 v23, v9;
	v9 =	vld [tilespmem:s3+$0x2B70]  }
0x125: {  	v13 =	vld [tilespmem:s3+$0x2B60];
	[tilespmem:s3+$0x2B00] =	vst v8;
	v8 =	vmul.f32 v24, v10  }
0x126: {  	v10 =	vld [tilespmem:s3+$0x2B80];
	[tilespmem:s3+$0x2B10] =	vst v7;
	v7 =	vmul.f32 v25, v11  }
0x127: {  	[tilespmem:s3+$0x2B20] =	vst v8;
	v11 =	vld [tilespmem:s3+$0x2B90];
	v8 =	vmul.f32 v26, v12;
	v12 =	vmul.f32 v27, v6  }
0x128: {  	[tilespmem:s3+$0x2B30] =	vst v7;
	v7 =	vld [tilespmem:s3+$0x2BA0]  }
0x129: {  	v6 =	vld [tilespmem:s3+$0x2BB0];
	[tilespmem:s3+$0x2B50] =	vst v12;
	v12 =	vmul.f32 v29, v9  }
0x12a: {  	v13 =	vmul.f32 v28, v13;
	[tilespmem:s3+$0x2B40] =	vst v8;
	v8 =	vld [tilespmem:s3+$0x2BC0]  }
0x12b: {  	v9 =	vld [tilespmem:s3+$0x2BD0];
	[tilespmem:s3+$0x2B70] =	vst v12;
	v12 =	vmul.f32 v30, v10  }
0x12c: {  	s4 =	simm.s32 $0x800;
	[tilespmem:s3+$0x2B60] =	vst v13;
	v11 =	vmul.f32 v31, v11;
	v10 =	vld [tilespmem:s3+$0x2BE0]  }
.LBB2_6:
0x12d: {  	s8 =	sshra.s32 s4, $0x2;
	p1 =	sne.s32 s4, $0x9800;
	[tilespmem:s3+$0x2B80] =	vst v12;
	v5 =	vmul.f32 v5, v7;
	v7 =	vld [tilespmem:s3+$0x2BF0]  }
0x12e: {  	v12 =	vld [tilespmem:s8+$0x5200];
	[tilespmem:s3+$0x2B90] =	vst v11;
	v4 =	vmul.f32 v4, v6  }
0x12f: {  	v6 =	vld [tilespmem:s8+$0x5210];
	[tilespmem:s3+$0x2BA0] =	vst v5;
	v3 =	vmul.f32 v3, v8  }
0x130: {  	v8 =	vld [tilespmem:s8+$0x5220];
	[tilespmem:s3+$0x2BB0] =	vst v4;
	v2 =	vmul.f32 v2, v9  }
0x131: {  	v9 =	vld [tilespmem:s8+$0x5230];
	[tilespmem:s3+$0x2BC0] =	vst v3;
	v1 =	vmul.f32 v1, v10  }
0x132: {  	v10 =	vld [tilespmem:s8+$0x5240];
	[tilespmem:s3+$0x2BD0] =	vst v2;
	v0 =	vmul.f32 v0, v7  }
0x133: {  	v7 =	vld [tilespmem:s8+$0x5250];
	[tilespmem:s3+$0x2BE0] =	vst v1  }
0x134: {  	v11 =	vld [tilespmem:s8+$0x5260];
	[tilespmem:s3+$0x2BF0] =	vst v0;
	s3 =	smov.u32 s8  }
0x135: {  	v13 =	vld [tilespmem:s3+$0x5270]  }
0x136: {  	v14 =	vld [tilespmem:s3+$0x5280]  }
0x137: {  	v15 =	vld [tilespmem:s3+$0x5290]  }
0x138: {  	v16 =	vld [tilespmem:s3+$0x52A0]  }
0x139: {  	v17 =	vld [tilespmem:s3+$0x52B0]  }
0x13a: {  	v18 =	vld [tilespmem:s3+$0x52C0]  }
0x13b: {  	v19 =	vld [tilespmem:s3+$0x52D0]  }
0x13c: {  	v20 =	vld [tilespmem:s3+$0x52E0]  }
0x13d: {  	v21 =	vld [tilespmem:s3+$0x52F0]  }
0x13e: {  	v22 =	vld [tilespmem:s3+$0x5300]  }
0x13f: {  	v23 =	vld [tilespmem:s3+$0x5310]  }
0x140: {  	v24 =	vld [tilespmem:s3+$0x5320]  }
0x141: {  	v25 =	vld [tilespmem:s3+$0x5330]  }
0x142: {  	v26 =	vld [tilespmem:s3+$0x5340]  }
0x143: {  	v27 =	vld [tilespmem:s3+$0x5350]  }
0x144: {  	v28 =	vld [tilespmem:s3+$0x5360]  }
0x145: {  	v29 =	vld [tilespmem:s3+$0x5370]  }
0x146: {  	v30 =	vld [tilespmem:s3+$0x5380]  }
0x147: {  	v31 =	vld [tilespmem:s3+$0x5390]  }
0x148: {  	v5 =	vld [tilespmem:s3+$0x53A0]  }
0x149: {  	v4 =	vld [tilespmem:s3+$0x53B0]  }
0x14a: {  	v3 =	vld [tilespmem:s3+$0x53C0]  }
0x14b: {  	v2 =	vld [tilespmem:s3+$0x53D0]  }
0x14c: {  	v1 =	vld [tilespmem:s3+$0x53E0]  }
0x14d: {  	v0 =	vld [tilespmem:s3+$0x53F0]  }
0x14e: {  	v32 =	vld [tilespmem:s3+$0x2A00]  }
0x14f: {  	v33 =	vld [tilespmem:s3+$0x2A10]  }
0x150: {  	v34 =	vld [tilespmem:s3+$0x2A20]  }
0x151: {  	v35 =	vld [tilespmem:s3+$0x2A30]  }
0x152: {  	v36 =	vld [tilespmem:s3+$0x2A40]  }
0x153: {  	v12 =	vmul.f32 v12, v32;
	v32 =	vld [tilespmem:s3+$0x2A50]  }
0x154: {  	v6 =	vmul.f32 v6, v33;
	v33 =	vld [tilespmem:s3+$0x2A60]  }
0x155: {  	[tilespmem:s3+$0x2A00] =	vst v12;
	v8 =	vmul.f32 v8, v34;
	v12 =	vld [tilespmem:s3+$0x2A70]  }
0x156: {  	[tilespmem:s3+$0x2A10] =	vst v6;
	v6 =	vmul.f32 v9, v35;
	v9 =	vld [tilespmem:s3+$0x2A80]  }
0x157: {  	[tilespmem:s3+$0x2A20] =	vst v8;
	v8 =	vmul.f32 v10, v36;
	v10 =	vld [tilespmem:s3+$0x2A90]  }
0x158: {  	[tilespmem:s3+$0x2A30] =	vst v6;
	v6 =	vmul.f32 v7, v32;
	v7 =	vld [tilespmem:s3+$0x2AA0]  }
0x159: {  	[tilespmem:s3+$0x2A40] =	vst v8;
	v8 =	vmul.f32 v11, v33;
	v11 =	vld [tilespmem:s3+$0x2AB0]  }
0x15a: {  	[tilespmem:s3+$0x2A50] =	vst v6;
	v6 =	vmul.f32 v13, v12;
	v12 =	vld [tilespmem:s3+$0x2AC0]  }
0x15b: {  	[tilespmem:s3+$0x2A60] =	vst v8;
	v8 =	vmul.f32 v14, v9;
	v9 =	vld [tilespmem:s3+$0x2AD0]  }
0x15c: {  	[tilespmem:s3+$0x2A70] =	vst v6;
	v6 =	vmul.f32 v15, v10;
	v10 =	vld [tilespmem:s3+$0x2AE0]  }
0x15d: {  	[tilespmem:s3+$0x2A80] =	vst v8;
	v7 =	vmul.f32 v16, v7;
	v8 =	vld [tilespmem:s3+$0x2AF0]  }
0x15e: {  	[tilespmem:s3+$0x2A90] =	vst v6;
	v6 =	vmul.f32 v17, v11;
	v11 =	vld [tilespmem:s3+$0x2B00]  }
0x15f: {  	[tilespmem:s3+$0x2AA0] =	vst v7;
	v7 =	vmul.f32 v18, v12;
	v12 =	vld [tilespmem:s3+$0x2B10]  }
0x160: {  	[tilespmem:s3+$0x2AB0] =	vst v6;
	v6 =	vmul.f32 v19, v9;
	v9 =	vld [tilespmem:s3+$0x2B20]  }
0x161: {  	[tilespmem:s3+$0x2AC0] =	vst v7;
	v7 =	vmul.f32 v20, v10;
	v10 =	vld [tilespmem:s3+$0x2B30]  }
0x162: {  	[tilespmem:s3+$0x2AD0] =	vst v6;
	v6 =	vmul.f32 v21, v8;
	v8 =	vld [tilespmem:s3+$0x2B40]  }
0x163: {  	[tilespmem:s3+$0x2AE0] =	vst v7;
	v7 =	vmul.f32 v22, v11;
	v11 =	vld [tilespmem:s3+$0x2B50]  }
0x164: {  	[tilespmem:s3+$0x2AF0] =	vst v6;
	v6 =	vmul.f32 v23, v12;
	v12 =	vld [tilespmem:s3+$0x2B60]  }
0x165: {  	[tilespmem:s3+$0x2B00] =	vst v7;
	v7 =	vmul.f32 v24, v9;
	v9 =	vld [tilespmem:s3+$0x2B70]  }
0x166: {  	[tilespmem:s3+$0x2B10] =	vst v6;
	v6 =	vmul.f32 v25, v10;
	v10 =	vld [tilespmem:s3+$0x2B80]  }
0x167: {  	[tilespmem:s3+$0x2B20] =	vst v7;
	v8 =	vmul.f32 v26, v8;
	v13 =	vld [tilespmem:s3+$0x2B90]  }
.Ltmp6:
0x168: {  	[tilespmem:s3+$0x2B30] =	vst v6;
	v11 =	vmul.f32 v27, v11;
	v7 =	vld [tilespmem:s3+$0x2BA0];
	(pc) =	sbr.rel @p1 .LBB2_6-.Ltmp6, $4  }
0x169: {  	[tilespmem:s3+$0x2B40] =	vst v8;
	v12 =	vmul.f32 v28, v12;
	v6 =	vld [tilespmem:s3+$0x2BB0]  }
0x16a: {  	[tilespmem:s3+$0x2B50] =	vst v11;
	v11 =	vmul.f32 v29, v9;
	v8 =	vld [tilespmem:s3+$0x2BC0]  }
0x16b: {  	[tilespmem:s3+$0x2B60] =	vst v12;
	v12 =	vmul.f32 v30, v10;
	v9 =	vld [tilespmem:s3+$0x2BD0]  }
0x16c: {  	s4 =	sadd.s32 $0x800, s4;
	[tilespmem:s3+$0x2B70] =	vst v11;
	v11 =	vmul.f32 v31, v13;
	v10 =	vld [tilespmem:s3+$0x2BE0]  }
0x16d: {  	[tilespmem:s3+$0x2B80] =	vst v12;
	v5 =	vmul.f32 v5, v7;
	v63 =	vld [tilespmem:s3+$0x2BF0]  }
0x16e: {  	[tilespmem:s3+$0x2B90] =	vst v11;
	v4 =	vmul.f32 v4, v6  }
0x16f: {  	[tilespmem:s3+$0x2BA0] =	vst v5;
	v3 =	vmul.f32 v3, v8  }
0x170: {  	[tilespmem:s3+$0x2BB0] =	vst v4;
	v2 =	vmul.f32 v2, v9  }
.Ltmp7:
0x171: {  	[tilespmem:s3+$0x2BC0] =	vst v3;
	v1 =	vmul.f32 v1, v10;
	(pc) =	sbr.rel .LBB2_8-.Ltmp7, $4  }
0x172: {  	[tilespmem:s3+$0x2BD0] =	vst v2;
	v0 =	vmul.f32 v0, v63  }
0x173: {  	[tilespmem:s3+$0x2BE0] =	vst v1  }
0x174: {  	[tilespmem:s3+$0x2BF0] =	vst v0  }
0x175: {  	[spmem:s2] =	stream.indirect.scatter.add.f32 [tilespmem:s28], [sflag:$0x4], $0x80, s26, s20, $0xb8;
	[tilespmem:$0x1B280] =	vst v63  }
.LBB2_10:
0x176: {  	_ =	sfence.sel $0x180000  }
0x177: {  	[bflag:$0x0] =	sbarrier.arrive $0xFFFF  }
0x178: {  	_ =	strace $0x90000047  }
0x179: {  	s0 =	stileid.u32;
	[bflag:$0x2] =	sbarrier.arrive $0xFFFF  }
0x17a: {  	p0 =	sne.s32 s0, $0x0;
	s0 =	rddreg [dreg:$0x3]  }
0x17b: {  	s0 =	sadd.s32 @!p0 $0x100000, s0  }
0x17c: {  	[sflag:s0] =	ssyncadd.tile.s32 @!p0 $0x1;
	_ =	shalt  }
.Lfunc_end2:
_tile_overlayer_lowered:
.L_overlay_start_2:
0x17d: {  	(tag) =	ssettag $0x2  }
0x17e: {  	s0 =	rddreg [dreg:$0x0];
	s2 =	stileid.u32  }
0x17f: {  	s1 =	rddreg [dreg:$0x1];
	p0 =	sne.s32 s2, $0x0  }
0x180: {  	s3 =	rddreg [dreg:$0x2];
	[bflag:$0x3] =	sbarrier.arrive $0xFFFF;
	s2 =	simm.s32 @!p0 $0x1C05  }
0x181: {  	[timem:s3], [sflag:s2] =	dma.local @!p0 [hbm:s0], s1  }
0x182: {  	s0 =	simm.s32 @!p0 $0x5  }
0x183: {  	_ =	swait.ge @!p0 [sflag:s0], s1  }
0x184: {  	s1 =	ssub.s32 @!p0 $0x0, s1;
	[sflag:s0] =	ssyncset.done @!p0 $0x0  }
0x185: {  	[sflag:s0] =	ssyncadd.s32 @!p0 s1  }
0x186: {  	[bflag:$0x3] =	sbarrier.arrive $0xFFFF  }
0x187: {  	_ =	shalt  }

</sc_bundles>
